<compile_context>
chip_gen: v7x
topology: tpu7x:2x2x1
jax: 0.10.2.dev20260603
libtpu: 0.0.44.dev20260713+nightly
codegen_flags: <defaults>
</compile_context>

<pallas_src>
import functools

import jax
import jax.numpy as jnp
from jax import lax
from jax.experimental import pallas as pl
from jax.experimental.pallas import tpu as pltpu
from jax.experimental.pallas import tpu_sc as plsc

_LANES = 16
_UNROLL = 14


def _make_sc_kernel(n, chunk, num_cores, n_species):
    mesh = plsc.VectorSubcoreMesh(
        core_axis_name="c", subcore_axis_name="s", num_cores=num_cores)
    rows = chunk // _LANES

    @functools.partial(
        pl.kernel,
        mesh=mesh,
        out_type=jax.ShapeDtypeStruct((n,), jnp.float32),
        scratch_types=[
            pltpu.VMEM((chunk,), jnp.float32),
            pltpu.VMEM((chunk,), jnp.int32),
            pltpu.VMEM((_LANES,), jnp.float32),
            pltpu.VMEM((_LANES,), jnp.float32),
            pltpu.VMEM((chunk,), jnp.float32),
            pltpu.SemaphoreType.DMA,
        ],
    )
    def k(x_hbm, t_hbm, scale_hbm, shift_hbm, out_hbm, x_v, t_v, sc_v, sh_v, o_v,
          sem):
        wid = lax.axis_index("s") * num_cores + lax.axis_index("c")
        base = jnp.minimum(wid * chunk, n - chunk)
        c1 = pltpu.async_copy(x_hbm.at[pl.ds(base, chunk)], x_v, sem)
        c2 = pltpu.async_copy(t_hbm.at[pl.ds(base, chunk)], t_v, sem)
        c3 = pltpu.async_copy(scale_hbm, sc_v.at[pl.ds(0, n_species)], sem)
        c4 = pltpu.async_copy(shift_hbm, sh_v.at[pl.ds(0, n_species)], sem)
        c1.wait()
        c2.wait()
        c3.wait()
        c4.wait()

        sc_vec = sc_v[...]
        sh_vec = sh_v[...]

        def body(i, carry):
            for u in range(_UNROLL):
                sl = pl.ds((i * _UNROLL + u) * _LANES, _LANES)
                t = t_v[sl]
                s = sc_vec.at[t].get(mode="promise_in_bounds")
                b = sh_vec.at[t].get(mode="promise_in_bounds")
                o_v[sl] = x_v[sl] * s + b
            return carry

        lax.fori_loop(0, rows // _UNROLL, body, 0)
        pltpu.sync_copy(o_v, out_hbm.at[pl.ds(base, chunk)])

    return k


def kernel(scaled_atomic_energy, atom_type, shift, scale):
    n = scaled_atomic_energy.shape[0]
    n_species = scale.shape[0]
    info = plsc.get_sparse_core_info()
    num_cores = info.num_cores
    num_workers = num_cores * info.num_subcores
    grain = _LANES * _UNROLL
    chunk = -(-n // num_workers)
    chunk = -(-chunk // grain) * grain

    x = scaled_atomic_energy.reshape(-1)
    out = _make_sc_kernel(n, chunk, num_cores, n_species)(
        x, atom_type, scale, shift)
    return out.reshape(n, 1)

# --- scband reference (transcript-rebuilt; emitter-appended) ---
"""Pipeline reference for scband-species-wise-rescale-50749333570007 (READ-ONLY COPY).

The authoritative reference and input builder live on the scoring server;
editing this copy changes nothing except your own understanding.
"""

import jax, jax.numpy as jnp
import numpy as np

N_ATOMS = 100000
N_SPECIES = 10


def setup_inputs(seed: int = 0) -> dict:
    key = jax.random.key(seed)
    k1, k2 = jax.random.split(key)
    scaled_atomic_energy = jax.random.normal(k1, (N_ATOMS, 1), dtype=jnp.float32)
    atom_type = jax.random.randint(k2, (N_ATOMS,), 0, N_SPECIES, dtype=jnp.int32)
    shift = jnp.array([-3.2, -1.5, 0.0, 2.1, -0.7, 1.3, -2.4, 0.5, -1.1, 0.9], dtype=jnp.float32)
    scale = jnp.array([1.2, 0.8, 1.0, 1.5, 0.9, 1.1, 0.7, 1.3, 1.05, 0.95], dtype=jnp.float32)
    return {
        'scaled_atomic_energy': scaled_atomic_energy,
        'atom_type': atom_type,
        'shift': shift,
        'scale': scale,
    }


def reference(scaled_atomic_energy, atom_type, shift, scale):
    # data[OUT] = data[IN] * scale[indicies].view(-1,1) + shift[indicies].view(-1,1)
    scale_per_atom = jnp.take(scale, atom_type, axis=0).reshape(-1, 1)
    shift_per_atom = jnp.take(shift, atom_type, axis=0).reshape(-1, 1)
    atomic_energy = scaled_atomic_energy * scale_per_atom + shift_per_atom
    return atomic_energy

if __name__ == "__main__":
    import jax
    _d = setup_inputs()
    print(jax.jit(kernel)(*tuple(_d.values())))

</pallas_src>

<mosaic_0001>
#map = affine_map<(d0, d1) -> (0)>
module attributes {stable_mosaic.version = 14 : i64} {
  func.func @k(%arg0: i32, %arg1: i32, %arg2: memref<100000xf32, #tpu.memory_space<hbm>>, %arg3: memref<100000xi32, #tpu.memory_space<hbm>>, %arg4: memref<10xf32, #tpu.memory_space<hbm>>, %arg5: memref<10xf32, #tpu.memory_space<hbm>>, %arg6: memref<100000xf32, #tpu.memory_space<hbm>>, %arg7: memref<3136xf32, #tpu.memory_space<vmem>>, %arg8: memref<3136xi32, #tpu.memory_space<vmem>>, %arg9: memref<16xf32, #tpu.memory_space<vmem>>, %arg10: memref<16xf32, #tpu.memory_space<vmem>>, %arg11: memref<3136xf32, #tpu.memory_space<vmem>>, %arg12: memref<!tpu.dma_semaphore, #tpu.memory_space<semaphore_mem>>) attributes {dimension_semantics = [#tpu.dimension_semantics<core_parallel>, #tpu.dimension_semantics<subcore_parallel>], iteration_bounds = array<i64: 2, 16>, scalar_prefetch = 0 : i64, scratch_operands = 6 : i64, tpu.core_type = #tpu.core_type<sc_vector_subcore>, window_params = [{transform_indices = #map}, {transform_indices = #map}, {transform_indices = #map}, {transform_indices = #map}, {transform_indices = #map}]} {
    %mul3A = arith.constant 2 : i32
    %mul3A_0 = arith.muli %arg1, %mul3A : i32
    %add3A = arith.addi %mul3A_0, %arg0 : i32
    %mul3A_1 = arith.constant 3136 : i32
    %mul3A_2 = arith.muli %add3A, %mul3A_1 : i32
    %min3A = arith.constant 96864 : i32
    %min3A_3 = arith.minsi %mul3A_2, %min3A : i32
    %dma_start3A = tpu.memref_slice %arg2[%min3A_3] : memref<100000xf32, #tpu.memory_space<hbm>> -> memref<3136xf32, #tpu.memory_space<hbm>>
    %dma_start3A_4 = tpu.memref_slice %arg2[%min3A_3] : memref<100000xf32, #tpu.memory_space<hbm>> -> memref<3136xf32, #tpu.memory_space<hbm>>
    tpu.enqueue_dma source(%dma_start3A_4 : memref<3136xf32, #tpu.memory_space<hbm>>) target(%arg7 : memref<3136xf32, #tpu.memory_space<vmem>>) target_semaphore(%arg12 : memref<!tpu.dma_semaphore, #tpu.memory_space<semaphore_mem>>)
    %dma_start3A_5 = tpu.memref_slice %arg3[%min3A_3] : memref<100000xi32, #tpu.memory_space<hbm>> -> memref<3136xi32, #tpu.memory_space<hbm>>
    %dma_start3A_6 = tpu.memref_slice %arg3[%min3A_3] : memref<100000xi32, #tpu.memory_space<hbm>> -> memref<3136xi32, #tpu.memory_space<hbm>>
    tpu.enqueue_dma source(%dma_start3A_6 : memref<3136xi32, #tpu.memory_space<hbm>>) target(%arg8 : memref<3136xi32, #tpu.memory_space<vmem>>) target_semaphore(%arg12 : memref<!tpu.dma_semaphore, #tpu.memory_space<semaphore_mem>>)
    %dma_start3A_7 = arith.constant 0 : i32
    %dma_start3A_8 = tpu.memref_slice %arg9[%dma_start3A_7] : memref<16xf32, #tpu.memory_space<vmem>> -> memref<10xf32, #tpu.memory_space<vmem>>
    %dma_start3A_9 = arith.constant 0 : i32
    %dma_start3A_10 = tpu.memref_slice %arg9[%dma_start3A_9] : memref<16xf32, #tpu.memory_space<vmem>> -> memref<10xf32, #tpu.memory_space<vmem>>
    tpu.enqueue_dma source(%arg4 : memref<10xf32, #tpu.memory_space<hbm>>) target(%dma_start3A_10 : memref<10xf32, #tpu.memory_space<vmem>>) target_semaphore(%arg12 : memref<!tpu.dma_semaphore, #tpu.memory_space<semaphore_mem>>)
    %dma_start3A_11 = arith.constant 0 : i32
    %dma_start3A_12 = tpu.memref_slice %arg10[%dma_start3A_11] : memref<16xf32, #tpu.memory_space<vmem>> -> memref<10xf32, #tpu.memory_space<vmem>>
    %dma_start3A_13 = arith.constant 0 : i32
    %dma_start3A_14 = tpu.memref_slice %arg10[%dma_start3A_13] : memref<16xf32, #tpu.memory_space<vmem>> -> memref<10xf32, #tpu.memory_space<vmem>>
    tpu.enqueue_dma source(%arg5 : memref<10xf32, #tpu.memory_space<hbm>>) target(%dma_start3A_14 : memref<10xf32, #tpu.memory_space<vmem>>) target_semaphore(%arg12 : memref<!tpu.dma_semaphore, #tpu.memory_space<semaphore_mem>>)
    %dma_wait3A = tpu.memref_slice %arg2[%min3A_3] : memref<100000xf32, #tpu.memory_space<hbm>> -> memref<3136xf32, #tpu.memory_space<hbm>>
    %dma_wait3A_15 = tpu.memref_slice %arg2[%min3A_3] : memref<100000xf32, #tpu.memory_space<hbm>> -> memref<3136xf32, #tpu.memory_space<hbm>>
    tpu.wait_dma2 semaphore(%arg12 : memref<!tpu.dma_semaphore, #tpu.memory_space<semaphore_mem>>) src(%dma_wait3A_15 : memref<3136xf32, #tpu.memory_space<hbm>>) dst(%arg7 : memref<3136xf32, #tpu.memory_space<vmem>>)
    %dma_wait3A_16 = tpu.memref_slice %arg3[%min3A_3] : memref<100000xi32, #tpu.memory_space<hbm>> -> memref<3136xi32, #tpu.memory_space<hbm>>
    %dma_wait3A_17 = tpu.memref_slice %arg3[%min3A_3] : memref<100000xi32, #tpu.memory_space<hbm>> -> memref<3136xi32, #tpu.memory_space<hbm>>
    tpu.wait_dma2 semaphore(%arg12 : memref<!tpu.dma_semaphore, #tpu.memory_space<semaphore_mem>>) src(%dma_wait3A_17 : memref<3136xi32, #tpu.memory_space<hbm>>) dst(%arg8 : memref<3136xi32, #tpu.memory_space<vmem>>)
    %dma_wait3A_18 = arith.constant 0 : i32
    %dma_wait3A_19 = tpu.memref_slice %arg9[%dma_wait3A_18] : memref<16xf32, #tpu.memory_space<vmem>> -> memref<10xf32, #tpu.memory_space<vmem>>
    %dma_wait3A_20 = arith.constant 0 : i32
    %dma_wait3A_21 = tpu.memref_slice %arg9[%dma_wait3A_20] : memref<16xf32, #tpu.memory_space<vmem>> -> memref<10xf32, #tpu.memory_space<vmem>>
    tpu.wait_dma2 semaphore(%arg12 : memref<!tpu.dma_semaphore, #tpu.memory_space<semaphore_mem>>) src(%arg4 : memref<10xf32, #tpu.memory_space<hbm>>) dst(%dma_wait3A_21 : memref<10xf32, #tpu.memory_space<vmem>>)
    %dma_wait3A_22 = arith.constant 0 : i32
    %dma_wait3A_23 = tpu.memref_slice %arg10[%dma_wait3A_22] : memref<16xf32, #tpu.memory_space<vmem>> -> memref<10xf32, #tpu.memory_space<vmem>>
    %dma_wait3A_24 = arith.constant 0 : i32
    %dma_wait3A_25 = tpu.memref_slice %arg10[%dma_wait3A_24] : memref<16xf32, #tpu.memory_space<vmem>> -> memref<10xf32, #tpu.memory_space<vmem>>
    tpu.wait_dma2 semaphore(%arg12 : memref<!tpu.dma_semaphore, #tpu.memory_space<semaphore_mem>>) src(%arg5 : memref<10xf32, #tpu.memory_space<hbm>>) dst(%dma_wait3A_25 : memref<10xf32, #tpu.memory_space<vmem>>)
    %get3A = arith.constant 0 : index
    %get3A_26 = tpu.vector_load %arg9[%get3A] {strides = array<i32>} : memref<16xf32, #tpu.memory_space<vmem>>, vector<16xf32>,
    %get3A_27 = vector.shape_cast %get3A_26 : vector<16xf32> to vector<16xf32>
    %get3A_28 = arith.constant 0 : index
    %get3A_29 = tpu.vector_load %arg10[%get3A_28] {strides = array<i32>} : memref<16xf32, #tpu.memory_space<vmem>>, vector<16xf32>,
    %get3A_30 = vector.shape_cast %get3A_29 : vector<16xf32> to vector<16xf32>
    %scan3A = arith.constant 0 : i32
    %scan3A_31 = arith.constant 0 : i32
    %scan3A_32 = arith.constant 14 : i32
    %scan3A_33 = arith.addi %scan3A_31, %scan3A_32 : i32
    %scan3A_34 = arith.constant 1 : i32
    scf.for %scan3A_36 = %scan3A_31 to %scan3A_33 step %scan3A_34  : i32 {
      %mul3A_37 = arith.constant 14 : i32
      %mul3A_38 = arith.muli %scan3A_36, %mul3A_37 : i32
      %add3A_39 = arith.constant 0 : i32
      %add3A_40 = arith.addi %mul3A_38, %add3A_39 : i32
      %mul3A_41 = arith.constant 16 : i32
      %mul3A_42 = arith.muli %add3A_40, %mul3A_41 : i32
      %get3A_43 = arith.index_cast %mul3A_42 : i32 to index
      %get3A_44 = tpu.vector_load %arg8[%get3A_43] {strides = array<i32>} : memref<3136xi32, #tpu.memory_space<vmem>>, vector<16xi32>,
      %get3A_45 = vector.shape_cast %get3A_44 : vector<16xi32> to vector<16xi32>
      %lt3A = arith.constant 0 : i32
      %lt3A_46 = vector.broadcast %lt3A : i32 to vector<16xi32>
      %lt3A_47 = arith.cmpi slt, %get3A_45, %lt3A_46 : vector<16xi32>
      %add3A_48 = arith.constant 16 : i32
      %add3A_49 = vector.broadcast %add3A_48 : i32 to vector<16xi32>
      %add3A_50 = arith.addi %get3A_45, %add3A_49 : vector<16xi32>
      %select_n3A = arith.select %lt3A_47, %add3A_50, %get3A_45 : vector<16xi1>, vector<16xi32>
      %broadcast_in_dim3A = vector.shape_cast %select_n3A : vector<16xi32> to vector<16x1xi32>
      %gather3A = vector.shape_cast %broadcast_in_dim3A : vector<16x1xi32> to vector<16xi32>
      %gather3A_51 = tpu.dynamic_gather %get3A_27[%gather3A] in [0] : vector<16xf32>, vector<16xi32> -> vector<16xf32>
      %lt3A_52 = arith.constant 0 : i32
      %lt3A_53 = vector.broadcast %lt3A_52 : i32 to vector<16xi32>
      %lt3A_54 = arith.cmpi slt, %get3A_45, %lt3A_53 : vector<16xi32>
      %add3A_55 = arith.constant 16 : i32
      %add3A_56 = vector.broadcast %add3A_55 : i32 to vector<16xi32>
      %add3A_57 = arith.addi %get3A_45, %add3A_56 : vector<16xi32>
      %select_n3A_58 = arith.select %lt3A_54, %add3A_57, %get3A_45 : vector<16xi1>, vector<16xi32>
      %broadcast_in_dim3A_59 = vector.shape_cast %select_n3A_58 : vector<16xi32> to vector<16x1xi32>
      %gather3A_60 = vector.shape_cast %broadcast_in_dim3A_59 : vector<16x1xi32> to vector<16xi32>
      %gather3A_61 = tpu.dynamic_gather %get3A_30[%gather3A_60] in [0] : vector<16xf32>, vector<16xi32> -> vector<16xf32>
      %get3A_62 = arith.index_cast %mul3A_42 : i32 to index
      %get3A_63 = tpu.vector_load %arg7[%get3A_62] {strides = array<i32>} : memref<3136xf32, #tpu.memory_space<vmem>>, vector<16xf32>,
      %get3A_64 = vector.shape_cast %get3A_63 : vector<16xf32> to vector<16xf32>
      %mul3A_65 = arith.mulf %get3A_64, %gather3A_51 : vector<16xf32>
      %add3A_66 = arith.addf %mul3A_65, %gather3A_61 : vector<16xf32>
      %swap3A = arith.index_cast %mul3A_42 : i32 to index
      %swap3A_67 = tpu.vector_load %arg11[%swap3A] {strides = array<i32>} : memref<3136xf32, #tpu.memory_space<vmem>>, vector<16xf32>,
      %swap3A_68 = vector.shape_cast %swap3A_67 : vector<16xf32> to vector<16xf32>
      %swap3A_69 = vector.shape_cast %add3A_66 : vector<16xf32> to vector<16xf32>
      tpu.vector_store %arg11[%swap3A], %swap3A_69 {strides = array<i32>} : memref<3136xf32, #tpu.memory_space<vmem>>, vector<16xf32>,
      %mul3A_70 = arith.constant 14 : i32
      %mul3A_71 = arith.muli %scan3A_36, %mul3A_70 : i32
      %add3A_72 = arith.constant 1 : i32
      %add3A_73 = arith.addi %mul3A_71, %add3A_72 : i32
      %mul3A_74 = arith.constant 16 : i32
      %mul3A_75 = arith.muli %add3A_73, %mul3A_74 : i32
      %get3A_76 = arith.index_cast %mul3A_75 : i32 to index
      %get3A_77 = tpu.vector_load %arg8[%get3A_76] {strides = array<i32>} : memref<3136xi32, #tpu.memory_space<vmem>>, vector<16xi32>,
      %get3A_78 = vector.shape_cast %get3A_77 : vector<16xi32> to vector<16xi32>
      %lt3A_79 = arith.constant 0 : i32
      %lt3A_80 = vector.broadcast %lt3A_79 : i32 to vector<16xi32>
      %lt3A_81 = arith.cmpi slt, %get3A_78, %lt3A_80 : vector<16xi32>
      %add3A_82 = arith.constant 16 : i32
      %add3A_83 = vector.broadcast %add3A_82 : i32 to vector<16xi32>
      %add3A_84 = arith.addi %get3A_78, %add3A_83 : vector<16xi32>
      %select_n3A_85 = arith.select %lt3A_81, %add3A_84, %get3A_78 : vector<16xi1>, vector<16xi32>
      %broadcast_in_dim3A_86 = vector.shape_cast %select_n3A_85 : vector<16xi32> to vector<16x1xi32>
      %gather3A_87 = vector.shape_cast %broadcast_in_dim3A_86 : vector<16x1xi32> to vector<16xi32>
      %gather3A_88 = tpu.dynamic_gather %get3A_27[%gather3A_87] in [0] : vector<16xf32>, vector<16xi32> -> vector<16xf32>
      %lt3A_89 = arith.constant 0 : i32
      %lt3A_90 = vector.broadcast %lt3A_89 : i32 to vector<16xi32>
      %lt3A_91 = arith.cmpi slt, %get3A_78, %lt3A_90 : vector<16xi32>
      %add3A_92 = arith.constant 16 : i32
      %add3A_93 = vector.broadcast %add3A_92 : i32 to vector<16xi32>
      %add3A_94 = arith.addi %get3A_78, %add3A_93 : vector<16xi32>
      %select_n3A_95 = arith.select %lt3A_91, %add3A_94, %get3A_78 : vector<16xi1>, vector<16xi32>
      %broadcast_in_dim3A_96 = vector.shape_cast %select_n3A_95 : vector<16xi32> to vector<16x1xi32>
      %gather3A_97 = vector.shape_cast %broadcast_in_dim3A_96 : vector<16x1xi32> to vector<16xi32>
      %gather3A_98 = tpu.dynamic_gather %get3A_30[%gather3A_97] in [0] : vector<16xf32>, vector<16xi32> -> vector<16xf32>
      %get3A_99 = arith.index_cast %mul3A_75 : i32 to index
      %get3A_100 = tpu.vector_load %arg7[%get3A_99] {strides = array<i32>} : memref<3136xf32, #tpu.memory_space<vmem>>, vector<16xf32>,
      %get3A_101 = vector.shape_cast %get3A_100 : vector<16xf32> to vector<16xf32>
      %mul3A_102 = arith.mulf %get3A_101, %gather3A_88 : vector<16xf32>
      %add3A_103 = arith.addf %mul3A_102, %gather3A_98 : vector<16xf32>
      %swap3A_104 = arith.index_cast %mul3A_75 : i32 to index
      %swap3A_105 = tpu.vector_load %arg11[%swap3A_104] {strides = array<i32>} : memref<3136xf32, #tpu.memory_space<vmem>>, vector<16xf32>,
      %swap3A_106 = vector.shape_cast %swap3A_105 : vector<16xf32> to vector<16xf32>
      %swap3A_107 = vector.shape_cast %add3A_103 : vector<16xf32> to vector<16xf32>
      tpu.vector_store %arg11[%swap3A_104], %swap3A_107 {strides = array<i32>} : memref<3136xf32, #tpu.memory_space<vmem>>, vector<16xf32>,
      %mul3A_108 = arith.constant 14 : i32
      %mul3A_109 = arith.muli %scan3A_36, %mul3A_108 : i32
      %add3A_110 = arith.constant 2 : i32
      %add3A_111 = arith.addi %mul3A_109, %add3A_110 : i32
      %mul3A_112 = arith.constant 16 : i32
      %mul3A_113 = arith.muli %add3A_111, %mul3A_112 : i32
      %get3A_114 = arith.index_cast %mul3A_113 : i32 to index
      %get3A_115 = tpu.vector_load %arg8[%get3A_114] {strides = array<i32>} : memref<3136xi32, #tpu.memory_space<vmem>>, vector<16xi32>,
      %get3A_116 = vector.shape_cast %get3A_115 : vector<16xi32> to vector<16xi32>
      %lt3A_117 = arith.constant 0 : i32
      %lt3A_118 = vector.broadcast %lt3A_117 : i32 to vector<16xi32>
      %lt3A_119 = arith.cmpi slt, %get3A_116, %lt3A_118 : vector<16xi32>
      %add3A_120 = arith.constant 16 : i32
      %add3A_121 = vector.broadcast %add3A_120 : i32 to vector<16xi32>
      %add3A_122 = arith.addi %get3A_116, %add3A_121 : vector<16xi32>
      %select_n3A_123 = arith.select %lt3A_119, %add3A_122, %get3A_116 : vector<16xi1>, vector<16xi32>
      %broadcast_in_dim3A_124 = vector.shape_cast %select_n3A_123 : vector<16xi32> to vector<16x1xi32>
      %gather3A_125 = vector.shape_cast %broadcast_in_dim3A_124 : vector<16x1xi32> to vector<16xi32>
      %gather3A_126 = tpu.dynamic_gather %get3A_27[%gather3A_125] in [0] : vector<16xf32>, vector<16xi32> -> vector<16xf32>
      %lt3A_127 = arith.constant 0 : i32
      %lt3A_128 = vector.broadcast %lt3A_127 : i32 to vector<16xi32>
      %lt3A_129 = arith.cmpi slt, %get3A_116, %lt3A_128 : vector<16xi32>
      %add3A_130 = arith.constant 16 : i32
      %add3A_131 = vector.broadcast %add3A_130 : i32 to vector<16xi32>
      %add3A_132 = arith.addi %get3A_116, %add3A_131 : vector<16xi32>
      %select_n3A_133 = arith.select %lt3A_129, %add3A_132, %get3A_116 : vector<16xi1>, vector<16xi32>
      %broadcast_in_dim3A_134 = vector.shape_cast %select_n3A_133 : vector<16xi32> to vector<16x1xi32>
      %gather3A_135 = vector.shape_cast %broadcast_in_dim3A_134 : vector<16x1xi32> to vector<16xi32>
      %gather3A_136 = tpu.dynamic_gather %get3A_30[%gather3A_135] in [0] : vector<16xf32>, vector<16xi32> -> vector<16xf32>
      %get3A_137 = arith.index_cast %mul3A_113 : i32 to index
      %get3A_138 = tpu.vector_load %arg7[%get3A_137] {strides = array<i32>} : memref<3136xf32, #tpu.memory_space<vmem>>, vector<16xf32>,
      %get3A_139 = vector.shape_cast %get3A_138 : vector<16xf32> to vector<16xf32>
      %mul3A_140 = arith.mulf %get3A_139, %gather3A_126 : vector<16xf32>
      %add3A_141 = arith.addf %mul3A_140, %gather3A_136 : vector<16xf32>
      %swap3A_142 = arith.index_cast %mul3A_113 : i32 to index
      %swap3A_143 = tpu.vector_load %arg11[%swap3A_142] {strides = array<i32>} : memref<3136xf32, #tpu.memory_space<vmem>>, vector<16xf32>,
      %swap3A_144 = vector.shape_cast %swap3A_143 : vector<16xf32> to vector<16xf32>
      %swap3A_145 = vector.shape_cast %add3A_141 : vector<16xf32> to vector<16xf32>
      tpu.vector_store %arg11[%swap3A_142], %swap3A_145 {strides = array<i32>} : memref<3136xf32, #tpu.memory_space<vmem>>, vector<16xf32>,
      %mul3A_146 = arith.constant 14 : i32
      %mul3A_147 = arith.muli %scan3A_36, %mul3A_146 : i32
      %add3A_148 = arith.constant 3 : i32
      %add3A_149 = arith.addi %mul3A_147, %add3A_148 : i32
      %mul3A_150 = arith.constant 16 : i32
      %mul3A_151 = arith.muli %add3A_149, %mul3A_150 : i32
      %get3A_152 = arith.index_cast %mul3A_151 : i32 to index
      %get3A_153 = tpu.vector_load %arg8[%get3A_152] {strides = array<i32>} : memref<3136xi32, #tpu.memory_space<vmem>>, vector<16xi32>,
      %get3A_154 = vector.shape_cast %get3A_153 : vector<16xi32> to vector<16xi32>
      %lt3A_155 = arith.constant 0 : i32
      %lt3A_156 = vector.broadcast %lt3A_155 : i32 to vector<16xi32>
      %lt3A_157 = arith.cmpi slt, %get3A_154, %lt3A_156 : vector<16xi32>
      %add3A_158 = arith.constant 16 : i32
      %add3A_159 = vector.broadcast %add3A_158 : i32 to vector<16xi32>
      %add3A_160 = arith.addi %get3A_154, %add3A_159 : vector<16xi32>
      %select_n3A_161 = arith.select %lt3A_157, %add3A_160, %get3A_154 : vector<16xi1>, vector<16xi32>
      %broadcast_in_dim3A_162 = vector.shape_cast %select_n3A_161 : vector<16xi32> to vector<16x1xi32>
      %gather3A_163 = vector.shape_cast %broadcast_in_dim3A_162 : vector<16x1xi32> to vector<16xi32>
      %gather3A_164 = tpu.dynamic_gather %get3A_27[%gather3A_163] in [0] : vector<16xf32>, vector<16xi32> -> vector<16xf32>
      %lt3A_165 = arith.constant 0 : i32
      %lt3A_166 = vector.broadcast %lt3A_165 : i32 to vector<16xi32>
      %lt3A_167 = arith.cmpi slt, %get3A_154, %lt3A_166 : vector<16xi32>
      %add3A_168 = arith.constant 16 : i32
      %add3A_169 = vector.broadcast %add3A_168 : i32 to vector<16xi32>
      %add3A_170 = arith.addi %get3A_154, %add3A_169 : vector<16xi32>
      %select_n3A_171 = arith.select %lt3A_167, %add3A_170, %get3A_154 : vector<16xi1>, vector<16xi32>
      %broadcast_in_dim3A_172 = vector.shape_cast %select_n3A_171 : vector<16xi32> to vector<16x1xi32>
      %gather3A_173 = vector.shape_cast %broadcast_in_dim3A_172 : vector<16x1xi32> to vector<16xi32>
      %gather3A_174 = tpu.dynamic_gather %get3A_30[%gather3A_173] in [0] : vector<16xf32>, vector<16xi32> -> vector<16xf32>
      %get3A_175 = arith.index_cast %mul3A_151 : i32 to index
      %get3A_176 = tpu.vector_load %arg7[%get3A_175] {strides = array<i32>} : memref<3136xf32, #tpu.memory_space<vmem>>, vector<16xf32>,
      %get3A_177 = vector.shape_cast %get3A_176 : vector<16xf32> to vector<16xf32>
      %mul3A_178 = arith.mulf %get3A_177, %gather3A_164 : vector<16xf32>
      %add3A_179 = arith.addf %mul3A_178, %gather3A_174 : vector<16xf32>
      %swap3A_180 = arith.index_cast %mul3A_151 : i32 to index
      %swap3A_181 = tpu.vector_load %arg11[%swap3A_180] {strides = array<i32>} : memref<3136xf32, #tpu.memory_space<vmem>>, vector<16xf32>,
      %swap3A_182 = vector.shape_cast %swap3A_181 : vector<16xf32> to vector<16xf32>
      %swap3A_183 = vector.shape_cast %add3A_179 : vector<16xf32> to vector<16xf32>
      tpu.vector_store %arg11[%swap3A_180], %swap3A_183 {strides = array<i32>} : memref<3136xf32, #tpu.memory_space<vmem>>, vector<16xf32>,
      %mul3A_184 = arith.constant 14 : i32
      %mul3A_185 = arith.muli %scan3A_36, %mul3A_184 : i32
      %add3A_186 = arith.constant 4 : i32
      %add3A_187 = arith.addi %mul3A_185, %add3A_186 : i32
      %mul3A_188 = arith.constant 16 : i32
      %mul3A_189 = arith.muli %add3A_187, %mul3A_188 : i32
      %get3A_190 = arith.index_cast %mul3A_189 : i32 to index
      %get3A_191 = tpu.vector_load %arg8[%get3A_190] {strides = array<i32>} : memref<3136xi32, #tpu.memory_space<vmem>>, vector<16xi32>,
      %get3A_192 = vector.shape_cast %get3A_191 : vector<16xi32> to vector<16xi32>
      %lt3A_193 = arith.constant 0 : i32
      %lt3A_194 = vector.broadcast %lt3A_193 : i32 to vector<16xi32>
      %lt3A_195 = arith.cmpi slt, %get3A_192, %lt3A_194 : vector<16xi32>
      %add3A_196 = arith.constant 16 : i32
      %add3A_197 = vector.broadcast %add3A_196 : i32 to vector<16xi32>
      %add3A_198 = arith.addi %get3A_192, %add3A_197 : vector<16xi32>
      %select_n3A_199 = arith.select %lt3A_195, %add3A_198, %get3A_192 : vector<16xi1>, vector<16xi32>
      %broadcast_in_dim3A_200 = vector.shape_cast %select_n3A_199 : vector<16xi32> to vector<16x1xi32>
      %gather3A_201 = vector.shape_cast %broadcast_in_dim3A_200 : vector<16x1xi32> to vector<16xi32>
      %gather3A_202 = tpu.dynamic_gather %get3A_27[%gather3A_201] in [0] : vector<16xf32>, vector<16xi32> -> vector<16xf32>
      %lt3A_203 = arith.constant 0 : i32
      %lt3A_204 = vector.broadcast %lt3A_203 : i32 to vector<16xi32>
      %lt3A_205 = arith.cmpi slt, %get3A_192, %lt3A_204 : vector<16xi32>
      %add3A_206 = arith.constant 16 : i32
      %add3A_207 = vector.broadcast %add3A_206 : i32 to vector<16xi32>
      %add3A_208 = arith.addi %get3A_192, %add3A_207 : vector<16xi32>
      %select_n3A_209 = arith.select %lt3A_205, %add3A_208, %get3A_192 : vector<16xi1>, vector<16xi32>
      %broadcast_in_dim3A_210 = vector.shape_cast %select_n3A_209 : vector<16xi32> to vector<16x1xi32>
      %gather3A_211 = vector.shape_cast %broadcast_in_dim3A_210 : vector<16x1xi32> to vector<16xi32>
      %gather3A_212 = tpu.dynamic_gather %get3A_30[%gather3A_211] in [0] : vector<16xf32>, vector<16xi32> -> vector<16xf32>
      %get3A_213 = arith.index_cast %mul3A_189 : i32 to index
      %get3A_214 = tpu.vector_load %arg7[%get3A_213] {strides = array<i32>} : memref<3136xf32, #tpu.memory_space<vmem>>, vector<16xf32>,
      %get3A_215 = vector.shape_cast %get3A_214 : vector<16xf32> to vector<16xf32>
      %mul3A_216 = arith.mulf %get3A_215, %gather3A_202 : vector<16xf32>
      %add3A_217 = arith.addf %mul3A_216, %gather3A_212 : vector<16xf32>
      %swap3A_218 = arith.index_cast %mul3A_189 : i32 to index
      %swap3A_219 = tpu.vector_load %arg11[%swap3A_218] {strides = array<i32>} : memref<3136xf32, #tpu.memory_space<vmem>>, vector<16xf32>,
      %swap3A_220 = vector.shape_cast %swap3A_219 : vector<16xf32> to vector<16xf32>
      %swap3A_221 = vector.shape_cast %add3A_217 : vector<16xf32> to vector<16xf32>
      tpu.vector_store %arg11[%swap3A_218], %swap3A_221 {strides = array<i32>} : memref<3136xf32, #tpu.memory_space<vmem>>, vector<16xf32>,
      %mul3A_222 = arith.constant 14 : i32
      %mul3A_223 = arith.muli %scan3A_36, %mul3A_222 : i32
      %add3A_224 = arith.constant 5 : i32
      %add3A_225 = arith.addi %mul3A_223, %add3A_224 : i32
      %mul3A_226 = arith.constant 16 : i32
      %mul3A_227 = arith.muli %add3A_225, %mul3A_226 : i32
      %get3A_228 = arith.index_cast %mul3A_227 : i32 to index
      %get3A_229 = tpu.vector_load %arg8[%get3A_228] {strides = array<i32>} : memref<3136xi32, #tpu.memory_space<vmem>>, vector<16xi32>,
      %get3A_230 = vector.shape_cast %get3A_229 : vector<16xi32> to vector<16xi32>
      %lt3A_231 = arith.constant 0 : i32
      %lt3A_232 = vector.broadcast %lt3A_231 : i32 to vector<16xi32>
      %lt3A_233 = arith.cmpi slt, %get3A_230, %lt3A_232 : vector<16xi32>
      %add3A_234 = arith.constant 16 : i32
      %add3A_235 = vector.broadcast %add3A_234 : i32 to vector<16xi32>
      %add3A_236 = arith.addi %get3A_230, %add3A_235 : vector<16xi32>
      %select_n3A_237 = arith.select %lt3A_233, %add3A_236, %get3A_230 : vector<16xi1>, vector<16xi32>
      %broadcast_in_dim3A_238 = vector.shape_cast %select_n3A_237 : vector<16xi32> to vector<16x1xi32>
      %gather3A_239 = vector.shape_cast %broadcast_in_dim3A_238 : vector<16x1xi32> to vector<16xi32>
      %gather3A_240 = tpu.dynamic_gather %get3A_27[%gather3A_239] in [0] : vector<16xf32>, vector<16xi32> -> vector<16xf32>
      %lt3A_241 = arith.constant 0 : i32
      %lt3A_242 = vector.broadcast %lt3A_241 : i32 to vector<16xi32>
      %lt3A_243 = arith.cmpi slt, %get3A_230, %lt3A_242 : vector<16xi32>
      %add3A_244 = arith.constant 16 : i32
      %add3A_245 = vector.broadcast %add3A_244 : i32 to vector<16xi32>
      %add3A_246 = arith.addi %get3A_230, %add3A_245 : vector<16xi32>
      %select_n3A_247 = arith.select %lt3A_243, %add3A_246, %get3A_230 : vector<16xi1>, vector<16xi32>
      %broadcast_in_dim3A_248 = vector.shape_cast %select_n3A_247 : vector<16xi32> to vector<16x1xi32>
      %gather3A_249 = vector.shape_cast %broadcast_in_dim3A_248 : vector<16x1xi32> to vector<16xi32>
      %gather3A_250 = tpu.dynamic_gather %get3A_30[%gather3A_249] in [0] : vector<16xf32>, vector<16xi32> -> vector<16xf32>
      %get3A_251 = arith.index_cast %mul3A_227 : i32 to index
      %get3A_252 = tpu.vector_load %arg7[%get3A_251] {strides = array<i32>} : memref<3136xf32, #tpu.memory_space<vmem>>, vector<16xf32>,
      %get3A_253 = vector.shape_cast %get3A_252 : vector<16xf32> to vector<16xf32>
      %mul3A_254 = arith.mulf %get3A_253, %gather3A_240 : vector<16xf32>
      %add3A_255 = arith.addf %mul3A_254, %gather3A_250 : vector<16xf32>
      %swap3A_256 = arith.index_cast %mul3A_227 : i32 to index
      %swap3A_257 = tpu.vector_load %arg11[%swap3A_256] {strides = array<i32>} : memref<3136xf32, #tpu.memory_space<vmem>>, vector<16xf32>,
      %swap3A_258 = vector.shape_cast %swap3A_257 : vector<16xf32> to vector<16xf32>
      %swap3A_259 = vector.shape_cast %add3A_255 : vector<16xf32> to vector<16xf32>
      tpu.vector_store %arg11[%swap3A_256], %swap3A_259 {strides = array<i32>} : memref<3136xf32, #tpu.memory_space<vmem>>, vector<16xf32>,
      %mul3A_260 = arith.constant 14 : i32
      %mul3A_261 = arith.muli %scan3A_36, %mul3A_260 : i32
      %add3A_262 = arith.constant 6 : i32
      %add3A_263 = arith.addi %mul3A_261, %add3A_262 : i32
      %mul3A_264 = arith.constant 16 : i32
      %mul3A_265 = arith.muli %add3A_263, %mul3A_264 : i32
      %get3A_266 = arith.index_cast %mul3A_265 : i32 to index
      %get3A_267 = tpu.vector_load %arg8[%get3A_266] {strides = array<i32>} : memref<3136xi32, #tpu.memory_space<vmem>>, vector<16xi32>,
      %get3A_268 = vector.shape_cast %get3A_267 : vector<16xi32> to vector<16xi32>
      %lt3A_269 = arith.constant 0 : i32
      %lt3A_270 = vector.broadcast %lt3A_269 : i32 to vector<16xi32>
      %lt3A_271 = arith.cmpi slt, %get3A_268, %lt3A_270 : vector<16xi32>
      %add3A_272 = arith.constant 16 : i32
      %add3A_273 = vector.broadcast %add3A_272 : i32 to vector<16xi32>
      %add3A_274 = arith.addi %get3A_268, %add3A_273 : vector<16xi32>
      %select_n3A_275 = arith.select %lt3A_271, %add3A_274, %get3A_268 : vector<16xi1>, vector<16xi32>
      %broadcast_in_dim3A_276 = vector.shape_cast %select_n3A_275 : vector<16xi32> to vector<16x1xi32>
      %gather3A_277 = vector.shape_cast %broadcast_in_dim3A_276 : vector<16x1xi32> to vector<16xi32>
      %gather3A_278 = tpu.dynamic_gather %get3A_27[%gather3A_277] in [0] : vector<16xf32>, vector<16xi32> -> vector<16xf32>
      %lt3A_279 = arith.constant 0 : i32
      %lt3A_280 = vector.broadcast %lt3A_279 : i32 to vector<16xi32>
      %lt3A_281 = arith.cmpi slt, %get3A_268, %lt3A_280 : vector<16xi32>
      %add3A_282 = arith.constant 16 : i32
      %add3A_283 = vector.broadcast %add3A_282 : i32 to vector<16xi32>
      %add3A_284 = arith.addi %get3A_268, %add3A_283 : vector<16xi32>
      %select_n3A_285 = arith.select %lt3A_281, %add3A_284, %get3A_268 : vector<16xi1>, vector<16xi32>
      %broadcast_in_dim3A_286 = vector.shape_cast %select_n3A_285 : vector<16xi32> to vector<16x1xi32>
      %gather3A_287 = vector.shape_cast %broadcast_in_dim3A_286 : vector<16x1xi32> to vector<16xi32>
      %gather3A_288 = tpu.dynamic_gather %get3A_30[%gather3A_287] in [0] : vector<16xf32>, vector<16xi32> -> vector<16xf32>
      %get3A_289 = arith.index_cast %mul3A_265 : i32 to index
      %get3A_290 = tpu.vector_load %arg7[%get3A_289] {strides = array<i32>} : memref<3136xf32, #tpu.memory_space<vmem>>, vector<16xf32>,
      %get3A_291 = vector.shape_cast %get3A_290 : vector<16xf32> to vector<16xf32>
      %mul3A_292 = arith.mulf %get3A_291, %gather3A_278 : vector<16xf32>
      %add3A_293 = arith.addf %mul3A_292, %gather3A_288 : vector<16xf32>
      %swap3A_294 = arith.index_cast %mul3A_265 : i32 to index
      %swap3A_295 = tpu.vector_load %arg11[%swap3A_294] {strides = array<i32>} : memref<3136xf32, #tpu.memory_space<vmem>>, vector<16xf32>,
      %swap3A_296 = vector.shape_cast %swap3A_295 : vector<16xf32> to vector<16xf32>
      %swap3A_297 = vector.shape_cast %add3A_293 : vector<16xf32> to vector<16xf32>
      tpu.vector_store %arg11[%swap3A_294], %swap3A_297 {strides = array<i32>} : memref<3136xf32, #tpu.memory_space<vmem>>, vector<16xf32>,
      %mul3A_298 = arith.constant 14 : i32
      %mul3A_299 = arith.muli %scan3A_36, %mul3A_298 : i32
      %add3A_300 = arith.constant 7 : i32
      %add3A_301 = arith.addi %mul3A_299, %add3A_300 : i32
      %mul3A_302 = arith.constant 16 : i32
      %mul3A_303 = arith.muli %add3A_301, %mul3A_302 : i32
      %get3A_304 = arith.index_cast %mul3A_303 : i32 to index
      %get3A_305 = tpu.vector_load %arg8[%get3A_304] {strides = array<i32>} : memref<3136xi32, #tpu.memory_space<vmem>>, vector<16xi32>,
      %get3A_306 = vector.shape_cast %get3A_305 : vector<16xi32> to vector<16xi32>
      %lt3A_307 = arith.constant 0 : i32
      %lt3A_308 = vector.broadcast %lt3A_307 : i32 to vector<16xi32>
      %lt3A_309 = arith.cmpi slt, %get3A_306, %lt3A_308 : vector<16xi32>
      %add3A_310 = arith.constant 16 : i32
      %add3A_311 = vector.broadcast %add3A_310 : i32 to vector<16xi32>
      %add3A_312 = arith.addi %get3A_306, %add3A_311 : vector<16xi32>
      %select_n3A_313 = arith.select %lt3A_309, %add3A_312, %get3A_306 : vector<16xi1>, vector<16xi32>
      %broadcast_in_dim3A_314 = vector.shape_cast %select_n3A_313 : vector<16xi32> to vector<16x1xi32>
      %gather3A_315 = vector.shape_cast %broadcast_in_dim3A_314 : vector<16x1xi32> to vector<16xi32>
      %gather3A_316 = tpu.dynamic_gather %get3A_27[%gather3A_315] in [0] : vector<16xf32>, vector<16xi32> -> vector<16xf32>
      %lt3A_317 = arith.constant 0 : i32
      %lt3A_318 = vector.broadcast %lt3A_317 : i32 to vector<16xi32>
      %lt3A_319 = arith.cmpi slt, %get3A_306, %lt3A_318 : vector<16xi32>
      %add3A_320 = arith.constant 16 : i32
      %add3A_321 = vector.broadcast %add3A_320 : i32 to vector<16xi32>
      %add3A_322 = arith.addi %get3A_306, %add3A_321 : vector<16xi32>
      %select_n3A_323 = arith.select %lt3A_319, %add3A_322, %get3A_306 : vector<16xi1>, vector<16xi32>
      %broadcast_in_dim3A_324 = vector.shape_cast %select_n3A_323 : vector<16xi32> to vector<16x1xi32>
      %gather3A_325 = vector.shape_cast %broadcast_in_dim3A_324 : vector<16x1xi32> to vector<16xi32>
      %gather3A_326 = tpu.dynamic_gather %get3A_30[%gather3A_325] in [0] : vector<16xf32>, vector<16xi32> -> vector<16xf32>
      %get3A_327 = arith.index_cast %mul3A_303 : i32 to index
      %get3A_328 = tpu.vector_load %arg7[%get3A_327] {strides = array<i32>} : memref<3136xf32, #tpu.memory_space<vmem>>, vector<16xf32>,
      %get3A_329 = vector.shape_cast %get3A_328 : vector<16xf32> to vector<16xf32>
      %mul3A_330 = arith.mulf %get3A_329, %gather3A_316 : vector<16xf32>
      %add3A_331 = arith.addf %mul3A_330, %gather3A_326 : vector<16xf32>
      %swap3A_332 = arith.index_cast %mul3A_303 : i32 to index
      %swap3A_333 = tpu.vector_load %arg11[%swap3A_332] {strides = array<i32>} : memref<3136xf32, #tpu.memory_space<vmem>>, vector<16xf32>,
      %swap3A_334 = vector.shape_cast %swap3A_333 : vector<16xf32> to vector<16xf32>
      %swap3A_335 = vector.shape_cast %add3A_331 : vector<16xf32> to vector<16xf32>
      tpu.vector_store %arg11[%swap3A_332], %swap3A_335 {strides = array<i32>} : memref<3136xf32, #tpu.memory_space<vmem>>, vector<16xf32>,
      %mul3A_336 = arith.constant 14 : i32
      %mul3A_337 = arith.muli %scan3A_36, %mul3A_336 : i32
      %add3A_338 = arith.constant 8 : i32
      %add3A_339 = arith.addi %mul3A_337, %add3A_338 : i32
      %mul3A_340 = arith.constant 16 : i32
      %mul3A_341 = arith.muli %add3A_339, %mul3A_340 : i32
      %get3A_342 = arith.index_cast %mul3A_341 : i32 to index
      %get3A_343 = tpu.vector_load %arg8[%get3A_342] {strides = array<i32>} : memref<3136xi32, #tpu.memory_space<vmem>>, vector<16xi32>,
      %get3A_344 = vector.shape_cast %get3A_343 : vector<16xi32> to vector<16xi32>
      %lt3A_345 = arith.constant 0 : i32
      %lt3A_346 = vector.broadcast %lt3A_345 : i32 to vector<16xi32>
      %lt3A_347 = arith.cmpi slt, %get3A_344, %lt3A_346 : vector<16xi32>
      %add3A_348 = arith.constant 16 : i32
      %add3A_349 = vector.broadcast %add3A_348 : i32 to vector<16xi32>
      %add3A_350 = arith.addi %get3A_344, %add3A_349 : vector<16xi32>
      %select_n3A_351 = arith.select %lt3A_347, %add3A_350, %get3A_344 : vector<16xi1>, vector<16xi32>
      %broadcast_in_dim3A_352 = vector.shape_cast %select_n3A_351 : vector<16xi32> to vector<16x1xi32>
      %gather3A_353 = vector.shape_cast %broadcast_in_dim3A_352 : vector<16x1xi32> to vector<16xi32>
      %gather3A_354 = tpu.dynamic_gather %get3A_27[%gather3A_353] in [0] : vector<16xf32>, vector<16xi32> -> vector<16xf32>
      %lt3A_355 = arith.constant 0 : i32
      %lt3A_356 = vector.broadcast %lt3A_355 : i32 to vector<16xi32>
      %lt3A_357 = arith.cmpi slt, %get3A_344, %lt3A_356 : vector<16xi32>
      %add3A_358 = arith.constant 16 : i32
      %add3A_359 = vector.broadcast %add3A_358 : i32 to vector<16xi32>
      %add3A_360 = arith.addi %get3A_344, %add3A_359 : vector<16xi32>
      %select_n3A_361 = arith.select %lt3A_357, %add3A_360, %get3A_344 : vector<16xi1>, vector<16xi32>
      %broadcast_in_dim3A_362 = vector.shape_cast %select_n3A_361 : vector<16xi32> to vector<16x1xi32>
      %gather3A_363 = vector.shape_cast %broadcast_in_dim3A_362 : vector<16x1xi32> to vector<16xi32>
      %gather3A_364 = tpu.dynamic_gather %get3A_30[%gather3A_363] in [0] : vector<16xf32>, vector<16xi32> -> vector<16xf32>
      %get3A_365 = arith.index_cast %mul3A_341 : i32 to index
      %get3A_366 = tpu.vector_load %arg7[%get3A_365] {strides = array<i32>} : memref<3136xf32, #tpu.memory_space<vmem>>, vector<16xf32>,
      %get3A_367 = vector.shape_cast %get3A_366 : vector<16xf32> to vector<16xf32>
      %mul3A_368 = arith.mulf %get3A_367, %gather3A_354 : vector<16xf32>
      %add3A_369 = arith.addf %mul3A_368, %gather3A_364 : vector<16xf32>
      %swap3A_370 = arith.index_cast %mul3A_341 : i32 to index
      %swap3A_371 = tpu.vector_load %arg11[%swap3A_370] {strides = array<i32>} : memref<3136xf32, #tpu.memory_space<vmem>>, vector<16xf32>,
      %swap3A_372 = vector.shape_cast %swap3A_371 : vector<16xf32> to vector<16xf32>
      %swap3A_373 = vector.shape_cast %add3A_369 : vector<16xf32> to vector<16xf32>
      tpu.vector_store %arg11[%swap3A_370], %swap3A_373 {strides = array<i32>} : memref<3136xf32, #tpu.memory_space<vmem>>, vector<16xf32>,
      %mul3A_374 = arith.constant 14 : i32
      %mul3A_375 = arith.muli %scan3A_36, %mul3A_374 : i32
      %add3A_376 = arith.constant 9 : i32
      %add3A_377 = arith.addi %mul3A_375, %add3A_376 : i32
      %mul3A_378 = arith.constant 16 : i32
      %mul3A_379 = arith.muli %add3A_377, %mul3A_378 : i32
      %get3A_380 = arith.index_cast %mul3A_379 : i32 to index
      %get3A_381 = tpu.vector_load %arg8[%get3A_380] {strides = array<i32>} : memref<3136xi32, #tpu.memory_space<vmem>>, vector<16xi32>,
      %get3A_382 = vector.shape_cast %get3A_381 : vector<16xi32> to vector<16xi32>
      %lt3A_383 = arith.constant 0 : i32
      %lt3A_384 = vector.broadcast %lt3A_383 : i32 to vector<16xi32>
      %lt3A_385 = arith.cmpi slt, %get3A_382, %lt3A_384 : vector<16xi32>
      %add3A_386 = arith.constant 16 : i32
      %add3A_387 = vector.broadcast %add3A_386 : i32 to vector<16xi32>
      %add3A_388 = arith.addi %get3A_382, %add3A_387 : vector<16xi32>
      %select_n3A_389 = arith.select %lt3A_385, %add3A_388, %get3A_382 : vector<16xi1>, vector<16xi32>
      %broadcast_in_dim3A_390 = vector.shape_cast %select_n3A_389 : vector<16xi32> to vector<16x1xi32>
      %gather3A_391 = vector.shape_cast %broadcast_in_dim3A_390 : vector<16x1xi32> to vector<16xi32>
      %gather3A_392 = tpu.dynamic_gather %get3A_27[%gather3A_391] in [0] : vector<16xf32>, vector<16xi32> -> vector<16xf32>
      %lt3A_393 = arith.constant 0 : i32
      %lt3A_394 = vector.broadcast %lt3A_393 : i32 to vector<16xi32>
      %lt3A_395 = arith.cmpi slt, %get3A_382, %lt3A_394 : vector<16xi32>
      %add3A_396 = arith.constant 16 : i32
      %add3A_397 = vector.broadcast %add3A_396 : i32 to vector<16xi32>
      %add3A_398 = arith.addi %get3A_382, %add3A_397 : vector<16xi32>
      %select_n3A_399 = arith.select %lt3A_395, %add3A_398, %get3A_382 : vector<16xi1>, vector<16xi32>
      %broadcast_in_dim3A_400 = vector.shape_cast %select_n3A_399 : vector<16xi32> to vector<16x1xi32>
      %gather3A_401 = vector.shape_cast %broadcast_in_dim3A_400 : vector<16x1xi32> to vector<16xi32>
      %gather3A_402 = tpu.dynamic_gather %get3A_30[%gather3A_401] in [0] : vector<16xf32>, vector<16xi32> -> vector<16xf32>
      %get3A_403 = arith.index_cast %mul3A_379 : i32 to index
      %get3A_404 = tpu.vector_load %arg7[%get3A_403] {strides = array<i32>} : memref<3136xf32, #tpu.memory_space<vmem>>, vector<16xf32>,
      %get3A_405 = vector.shape_cast %get3A_404 : vector<16xf32> to vector<16xf32>
      %mul3A_406 = arith.mulf %get3A_405, %gather3A_392 : vector<16xf32>
      %add3A_407 = arith.addf %mul3A_406, %gather3A_402 : vector<16xf32>
      %swap3A_408 = arith.index_cast %mul3A_379 : i32 to index
      %swap3A_409 = tpu.vector_load %arg11[%swap3A_408] {strides = array<i32>} : memref<3136xf32, #tpu.memory_space<vmem>>, vector<16xf32>,
      %swap3A_410 = vector.shape_cast %swap3A_409 : vector<16xf32> to vector<16xf32>
      %swap3A_411 = vector.shape_cast %add3A_407 : vector<16xf32> to vector<16xf32>
      tpu.vector_store %arg11[%swap3A_408], %swap3A_411 {strides = array<i32>} : memref<3136xf32, #tpu.memory_space<vmem>>, vector<16xf32>,
      %mul3A_412 = arith.constant 14 : i32
      %mul3A_413 = arith.muli %scan3A_36, %mul3A_412 : i32
      %add3A_414 = arith.constant 10 : i32
      %add3A_415 = arith.addi %mul3A_413, %add3A_414 : i32
      %mul3A_416 = arith.constant 16 : i32
      %mul3A_417 = arith.muli %add3A_415, %mul3A_416 : i32
      %get3A_418 = arith.index_cast %mul3A_417 : i32 to index
      %get3A_419 = tpu.vector_load %arg8[%get3A_418] {strides = array<i32>} : memref<3136xi32, #tpu.memory_space<vmem>>, vector<16xi32>,
      %get3A_420 = vector.shape_cast %get3A_419 : vector<16xi32> to vector<16xi32>
      %lt3A_421 = arith.constant 0 : i32
      %lt3A_422 = vector.broadcast %lt3A_421 : i32 to vector<16xi32>
      %lt3A_423 = arith.cmpi slt, %get3A_420, %lt3A_422 : vector<16xi32>
      %add3A_424 = arith.constant 16 : i32
      %add3A_425 = vector.broadcast %add3A_424 : i32 to vector<16xi32>
      %add3A_426 = arith.addi %get3A_420, %add3A_425 : vector<16xi32>
      %select_n3A_427 = arith.select %lt3A_423, %add3A_426, %get3A_420 : vector<16xi1>, vector<16xi32>
      %broadcast_in_dim3A_428 = vector.shape_cast %select_n3A_427 : vector<16xi32> to vector<16x1xi32>
      %gather3A_429 = vector.shape_cast %broadcast_in_dim3A_428 : vector<16x1xi32> to vector<16xi32>
      %gather3A_430 = tpu.dynamic_gather %get3A_27[%gather3A_429] in [0] : vector<16xf32>, vector<16xi32> -> vector<16xf32>
      %lt3A_431 = arith.constant 0 : i32
      %lt3A_432 = vector.broadcast %lt3A_431 : i32 to vector<16xi32>
      %lt3A_433 = arith.cmpi slt, %get3A_420, %lt3A_432 : vector<16xi32>
      %add3A_434 = arith.constant 16 : i32
      %add3A_435 = vector.broadcast %add3A_434 : i32 to vector<16xi32>
      %add3A_436 = arith.addi %get3A_420, %add3A_435 : vector<16xi32>
      %select_n3A_437 = arith.select %lt3A_433, %add3A_436, %get3A_420 : vector<16xi1>, vector<16xi32>
      %broadcast_in_dim3A_438 = vector.shape_cast %select_n3A_437 : vector<16xi32> to vector<16x1xi32>
      %gather3A_439 = vector.shape_cast %broadcast_in_dim3A_438 : vector<16x1xi32> to vector<16xi32>
      %gather3A_440 = tpu.dynamic_gather %get3A_30[%gather3A_439] in [0] : vector<16xf32>, vector<16xi32> -> vector<16xf32>
      %get3A_441 = arith.index_cast %mul3A_417 : i32 to index
      %get3A_442 = tpu.vector_load %arg7[%get3A_441] {strides = array<i32>} : memref<3136xf32, #tpu.memory_space<vmem>>, vector<16xf32>,
      %get3A_443 = vector.shape_cast %get3A_442 : vector<16xf32> to vector<16xf32>
      %mul3A_444 = arith.mulf %get3A_443, %gather3A_430 : vector<16xf32>
      %add3A_445 = arith.addf %mul3A_444, %gather3A_440 : vector<16xf32>
      %swap3A_446 = arith.index_cast %mul3A_417 : i32 to index
      %swap3A_447 = tpu.vector_load %arg11[%swap3A_446] {strides = array<i32>} : memref<3136xf32, #tpu.memory_space<vmem>>, vector<16xf32>,
      %swap3A_448 = vector.shape_cast %swap3A_447 : vector<16xf32> to vector<16xf32>
      %swap3A_449 = vector.shape_cast %add3A_445 : vector<16xf32> to vector<16xf32>
      tpu.vector_store %arg11[%swap3A_446], %swap3A_449 {strides = array<i32>} : memref<3136xf32, #tpu.memory_space<vmem>>, vector<16xf32>,
      %mul3A_450 = arith.constant 14 : i32
      %mul3A_451 = arith.muli %scan3A_36, %mul3A_450 : i32
      %add3A_452 = arith.constant 11 : i32
      %add3A_453 = arith.addi %mul3A_451, %add3A_452 : i32
      %mul3A_454 = arith.constant 16 : i32
      %mul3A_455 = arith.muli %add3A_453, %mul3A_454 : i32
      %get3A_456 = arith.index_cast %mul3A_455 : i32 to index
      %get3A_457 = tpu.vector_load %arg8[%get3A_456] {strides = array<i32>} : memref<3136xi32, #tpu.memory_space<vmem>>, vector<16xi32>,
      %get3A_458 = vector.shape_cast %get3A_457 : vector<16xi32> to vector<16xi32>
      %lt3A_459 = arith.constant 0 : i32
      %lt3A_460 = vector.broadcast %lt3A_459 : i32 to vector<16xi32>
      %lt3A_461 = arith.cmpi slt, %get3A_458, %lt3A_460 : vector<16xi32>
      %add3A_462 = arith.constant 16 : i32
      %add3A_463 = vector.broadcast %add3A_462 : i32 to vector<16xi32>
      %add3A_464 = arith.addi %get3A_458, %add3A_463 : vector<16xi32>
      %select_n3A_465 = arith.select %lt3A_461, %add3A_464, %get3A_458 : vector<16xi1>, vector<16xi32>
      %broadcast_in_dim3A_466 = vector.shape_cast %select_n3A_465 : vector<16xi32> to vector<16x1xi32>
      %gather3A_467 = vector.shape_cast %broadcast_in_dim3A_466 : vector<16x1xi32> to vector<16xi32>
      %gather3A_468 = tpu.dynamic_gather %get3A_27[%gather3A_467] in [0] : vector<16xf32>, vector<16xi32> -> vector<16xf32>
      %lt3A_469 = arith.constant 0 : i32
      %lt3A_470 = vector.broadcast %lt3A_469 : i32 to vector<16xi32>
      %lt3A_471 = arith.cmpi slt, %get3A_458, %lt3A_470 : vector<16xi32>
      %add3A_472 = arith.constant 16 : i32
      %add3A_473 = vector.broadcast %add3A_472 : i32 to vector<16xi32>
      %add3A_474 = arith.addi %get3A_458, %add3A_473 : vector<16xi32>
      %select_n3A_475 = arith.select %lt3A_471, %add3A_474, %get3A_458 : vector<16xi1>, vector<16xi32>
      %broadcast_in_dim3A_476 = vector.shape_cast %select_n3A_475 : vector<16xi32> to vector<16x1xi32>
      %gather3A_477 = vector.shape_cast %broadcast_in_dim3A_476 : vector<16x1xi32> to vector<16xi32>
      %gather3A_478 = tpu.dynamic_gather %get3A_30[%gather3A_477] in [0] : vector<16xf32>, vector<16xi32> -> vector<16xf32>
      %get3A_479 = arith.index_cast %mul3A_455 : i32 to index
      %get3A_480 = tpu.vector_load %arg7[%get3A_479] {strides = array<i32>} : memref<3136xf32, #tpu.memory_space<vmem>>, vector<16xf32>,
      %get3A_481 = vector.shape_cast %get3A_480 : vector<16xf32> to vector<16xf32>
      %mul3A_482 = arith.mulf %get3A_481, %gather3A_468 : vector<16xf32>
      %add3A_483 = arith.addf %mul3A_482, %gather3A_478 : vector<16xf32>
      %swap3A_484 = arith.index_cast %mul3A_455 : i32 to index
      %swap3A_485 = tpu.vector_load %arg11[%swap3A_484] {strides = array<i32>} : memref<3136xf32, #tpu.memory_space<vmem>>, vector<16xf32>,
      %swap3A_486 = vector.shape_cast %swap3A_485 : vector<16xf32> to vector<16xf32>
      %swap3A_487 = vector.shape_cast %add3A_483 : vector<16xf32> to vector<16xf32>
      tpu.vector_store %arg11[%swap3A_484], %swap3A_487 {strides = array<i32>} : memref<3136xf32, #tpu.memory_space<vmem>>, vector<16xf32>,
      %mul3A_488 = arith.constant 14 : i32
      %mul3A_489 = arith.muli %scan3A_36, %mul3A_488 : i32
      %add3A_490 = arith.constant 12 : i32
      %add3A_491 = arith.addi %mul3A_489, %add3A_490 : i32
      %mul3A_492 = arith.constant 16 : i32
      %mul3A_493 = arith.muli %add3A_491, %mul3A_492 : i32
      %get3A_494 = arith.index_cast %mul3A_493 : i32 to index
      %get3A_495 = tpu.vector_load %arg8[%get3A_494] {strides = array<i32>} : memref<3136xi32, #tpu.memory_space<vmem>>, vector<16xi32>,
      %get3A_496 = vector.shape_cast %get3A_495 : vector<16xi32> to vector<16xi32>
      %lt3A_497 = arith.constant 0 : i32
      %lt3A_498 = vector.broadcast %lt3A_497 : i32 to vector<16xi32>
      %lt3A_499 = arith.cmpi slt, %get3A_496, %lt3A_498 : vector<16xi32>
      %add3A_500 = arith.constant 16 : i32
      %add3A_501 = vector.broadcast %add3A_500 : i32 to vector<16xi32>
      %add3A_502 = arith.addi %get3A_496, %add3A_501 : vector<16xi32>
      %select_n3A_503 = arith.select %lt3A_499, %add3A_502, %get3A_496 : vector<16xi1>, vector<16xi32>
      %broadcast_in_dim3A_504 = vector.shape_cast %select_n3A_503 : vector<16xi32> to vector<16x1xi32>
      %gather3A_505 = vector.shape_cast %broadcast_in_dim3A_504 : vector<16x1xi32> to vector<16xi32>
      %gather3A_506 = tpu.dynamic_gather %get3A_27[%gather3A_505] in [0] : vector<16xf32>, vector<16xi32> -> vector<16xf32>
      %lt3A_507 = arith.constant 0 : i32
      %lt3A_508 = vector.broadcast %lt3A_507 : i32 to vector<16xi32>
      %lt3A_509 = arith.cmpi slt, %get3A_496, %lt3A_508 : vector<16xi32>
      %add3A_510 = arith.constant 16 : i32
      %add3A_511 = vector.broadcast %add3A_510 : i32 to vector<16xi32>
      %add3A_512 = arith.addi %get3A_496, %add3A_511 : vector<16xi32>
      %select_n3A_513 = arith.select %lt3A_509, %add3A_512, %get3A_496 : vector<16xi1>, vector<16xi32>
      %broadcast_in_dim3A_514 = vector.shape_cast %select_n3A_513 : vector<16xi32> to vector<16x1xi32>
      %gather3A_515 = vector.shape_cast %broadcast_in_dim3A_514 : vector<16x1xi32> to vector<16xi32>
      %gather3A_516 = tpu.dynamic_gather %get3A_30[%gather3A_515] in [0] : vector<16xf32>, vector<16xi32> -> vector<16xf32>
      %get3A_517 = arith.index_cast %mul3A_493 : i32 to index
      %get3A_518 = tpu.vector_load %arg7[%get3A_517] {strides = array<i32>} : memref<3136xf32, #tpu.memory_space<vmem>>, vector<16xf32>,
      %get3A_519 = vector.shape_cast %get3A_518 : vector<16xf32> to vector<16xf32>
      %mul3A_520 = arith.mulf %get3A_519, %gather3A_506 : vector<16xf32>
      %add3A_521 = arith.addf %mul3A_520, %gather3A_516 : vector<16xf32>
      %swap3A_522 = arith.index_cast %mul3A_493 : i32 to index
      %swap3A_523 = tpu.vector_load %arg11[%swap3A_522] {strides = array<i32>} : memref<3136xf32, #tpu.memory_space<vmem>>, vector<16xf32>,
      %swap3A_524 = vector.shape_cast %swap3A_523 : vector<16xf32> to vector<16xf32>
      %swap3A_525 = vector.shape_cast %add3A_521 : vector<16xf32> to vector<16xf32>
      tpu.vector_store %arg11[%swap3A_522], %swap3A_525 {strides = array<i32>} : memref<3136xf32, #tpu.memory_space<vmem>>, vector<16xf32>,
      %mul3A_526 = arith.constant 14 : i32
      %mul3A_527 = arith.muli %scan3A_36, %mul3A_526 : i32
      %add3A_528 = arith.constant 13 : i32
      %add3A_529 = arith.addi %mul3A_527, %add3A_528 : i32
      %mul3A_530 = arith.constant 16 : i32
      %mul3A_531 = arith.muli %add3A_529, %mul3A_530 : i32
      %get3A_532 = arith.index_cast %mul3A_531 : i32 to index
      %get3A_533 = tpu.vector_load %arg8[%get3A_532] {strides = array<i32>} : memref<3136xi32, #tpu.memory_space<vmem>>, vector<16xi32>,
      %get3A_534 = vector.shape_cast %get3A_533 : vector<16xi32> to vector<16xi32>
      %lt3A_535 = arith.constant 0 : i32
      %lt3A_536 = vector.broadcast %lt3A_535 : i32 to vector<16xi32>
      %lt3A_537 = arith.cmpi slt, %get3A_534, %lt3A_536 : vector<16xi32>
      %add3A_538 = arith.constant 16 : i32
      %add3A_539 = vector.broadcast %add3A_538 : i32 to vector<16xi32>
      %add3A_540 = arith.addi %get3A_534, %add3A_539 : vector<16xi32>
      %select_n3A_541 = arith.select %lt3A_537, %add3A_540, %get3A_534 : vector<16xi1>, vector<16xi32>
      %broadcast_in_dim3A_542 = vector.shape_cast %select_n3A_541 : vector<16xi32> to vector<16x1xi32>
      %gather3A_543 = vector.shape_cast %broadcast_in_dim3A_542 : vector<16x1xi32> to vector<16xi32>
      %gather3A_544 = tpu.dynamic_gather %get3A_27[%gather3A_543] in [0] : vector<16xf32>, vector<16xi32> -> vector<16xf32>
      %lt3A_545 = arith.constant 0 : i32
      %lt3A_546 = vector.broadcast %lt3A_545 : i32 to vector<16xi32>
      %lt3A_547 = arith.cmpi slt, %get3A_534, %lt3A_546 : vector<16xi32>
      %add3A_548 = arith.constant 16 : i32
      %add3A_549 = vector.broadcast %add3A_548 : i32 to vector<16xi32>
      %add3A_550 = arith.addi %get3A_534, %add3A_549 : vector<16xi32>
      %select_n3A_551 = arith.select %lt3A_547, %add3A_550, %get3A_534 : vector<16xi1>, vector<16xi32>
      %broadcast_in_dim3A_552 = vector.shape_cast %select_n3A_551 : vector<16xi32> to vector<16x1xi32>
      %gather3A_553 = vector.shape_cast %broadcast_in_dim3A_552 : vector<16x1xi32> to vector<16xi32>
      %gather3A_554 = tpu.dynamic_gather %get3A_30[%gather3A_553] in [0] : vector<16xf32>, vector<16xi32> -> vector<16xf32>
      %get3A_555 = arith.index_cast %mul3A_531 : i32 to index
      %get3A_556 = tpu.vector_load %arg7[%get3A_555] {strides = array<i32>} : memref<3136xf32, #tpu.memory_space<vmem>>, vector<16xf32>,
      %get3A_557 = vector.shape_cast %get3A_556 : vector<16xf32> to vector<16xf32>
      %mul3A_558 = arith.mulf %get3A_557, %gather3A_544 : vector<16xf32>
      %add3A_559 = arith.addf %mul3A_558, %gather3A_554 : vector<16xf32>
      %swap3A_560 = arith.index_cast %mul3A_531 : i32 to index
      %swap3A_561 = tpu.vector_load %arg11[%swap3A_560] {strides = array<i32>} : memref<3136xf32, #tpu.memory_space<vmem>>, vector<16xf32>,
      %swap3A_562 = vector.shape_cast %swap3A_561 : vector<16xf32> to vector<16xf32>
      %swap3A_563 = vector.shape_cast %add3A_559 : vector<16xf32> to vector<16xf32>
      tpu.vector_store %arg11[%swap3A_560], %swap3A_563 {strides = array<i32>} : memref<3136xf32, #tpu.memory_space<vmem>>, vector<16xf32>,
    }
    %scan3A_35 = arith.constant 14 : i32
    "tpu.region"() ({
      %run_scoped3A = tpu.sem_alloc : memref<!tpu.dma_semaphore, #tpu.memory_space<semaphore_mem>>
      %dma_start3A_36 = tpu.memref_slice %arg6[%min3A_3] : memref<100000xf32, #tpu.memory_space<hbm>> -> memref<3136xf32, #tpu.memory_space<hbm>>
      %dma_start3A_37 = tpu.memref_slice %arg6[%min3A_3] : memref<100000xf32, #tpu.memory_space<hbm>> -> memref<3136xf32, #tpu.memory_space<hbm>>
      tpu.enqueue_dma source(%arg11 : memref<3136xf32, #tpu.memory_space<vmem>>) target(%dma_start3A_37 : memref<3136xf32, #tpu.memory_space<hbm>>) target_semaphore(%run_scoped3A : memref<!tpu.dma_semaphore, #tpu.memory_space<semaphore_mem>>)
      %dma_wait3A_38 = tpu.memref_slice %arg6[%min3A_3] : memref<100000xf32, #tpu.memory_space<hbm>> -> memref<3136xf32, #tpu.memory_space<hbm>>
      %dma_wait3A_39 = tpu.memref_slice %arg6[%min3A_3] : memref<100000xf32, #tpu.memory_space<hbm>> -> memref<3136xf32, #tpu.memory_space<hbm>>
      tpu.wait_dma2 semaphore(%run_scoped3A : memref<!tpu.dma_semaphore, #tpu.memory_space<semaphore_mem>>) src(%arg11 : memref<3136xf32, #tpu.memory_space<vmem>>) dst(%dma_wait3A_39 : memref<3136xf32, #tpu.memory_space<hbm>>)
      tpu.yield
    }) : () -> ()
    return
  }
}

</mosaic_0001>

<sc_bundles>
// kernel: kernel.3.cloned.1.call-start
scs
__scs_entry_jumppad:
0x0: {  	(pc) =	sbr.rel $0x88, $3  }
0x1: {  	(tag) =	ssettag $0x0;
	lr =	simm.s32 $0x1  }
0x2: {  	[smem:$0x3F9D] =	sst lr;
	_ =	strace $0xD0000000  }
0x3: {  	_ = 	snop  }
0x4: {  	_ = 	snop  }
0x5: {  	_ = 	snop  }
0x6: {  	_ = 	snop  }
0x7: {  	_ = 	snop  }
__scs_overlays_trampoline_lowered:
0x8: {  	[smem:$0x3FAC] =	sst s0  }
0x9: {  	[smem:$0x3FAD] =	sst s1  }
0xa: {  	[smem:$0x3FAE] =	sst s2  }
0xb: {  	[smem:$0x3FAF] =	sst s3  }
0xc: {  	[smem:$0x3FB0] =	sst s4  }
0xd: {  	[smem:$0x3FB1] =	sst s5  }
0xe: {  	[smem:$0x3FB2] =	sst s6  }
0xf: {  	[smem:$0x3FB3] =	sst s7  }
0x10: {  	[smem:$0x3FB4] =	sst s8  }
0x11: {  	[smem:$0x3FB5] =	sst s9;
	s0 =	simm.s32 @!p0 $0x0  }
0x12: {  	s1 =	sld [smem:$0x3F9B];
	s0 =	simm.s32 @p0 $0x1  }
0x13: {  	[smem:$0x3FB6] =	sst s0;
	s0 =	simm.s32 @!p1 $0x0  }
0x14: {  	s2 =	sld [smem:$0x3F9A];
	s0 =	simm.s32 @p1 $0x1  }
0x15: {  	[smem:$0x3FB7] =	sst s0;
	s0 =	simm.s32 @!p2 $0x0  }
0x16: {  	s3 =	sld [smem:$0x3FDB];
	s0 =	simm.s32 @p2 $0x1  }
0x17: {  	s4 =	simm.s32 $0x1BF5;
	[smem:$0x3FB9] =	sst s0  }
0x18: {  	s0 =	sld [smem:$0x3F9C];
	_ =	swait.ge [sflag:s4], $0x0  }
0x19: {  	s7 =	sld [smem:$0x3F9D]  }
0x1a: {  	s8 =	sadd.s32 $0xFFFFE003, lr  }
0x1b: {  	s9 =	sadd.s32 $0xFFFFFEF7, lr;
	s5 =	simm.s32 $0xFFFFFFFF;
	p2 =	slt.u32 s8, $0xFFFFF086  }
0x1c: {  	p1 =	slt.u32 s9, $0xF7A;
	s5 =	simm.s32 @!p2 $0x0  }
0x1d: {  	s5 =	simm.s32 @p1 $0x1;
	p0 =	seq.s32 s7, s2  }
0x1e: {  	s7 =	smul.u32 @!p0 $0xF7A, s2;
	p2 =	seq.s32 @!p0 s5, $0x0  }
0x1f: {  	s9 =	smul.u32 $0xF7A, s1;
	s8 =	simm.s32 @!p0 $0x1BF5;
	p2 =	por !p2, p0  }
0x20: {  	[sflag:s8] =	ssyncset.s32 @!p0 $0xFFFFF086;
	s6 =	sadd.s32 @!p0 s3, s7;
	s7 =	simm.s32 @!p0 $0x108  }
0x21: {  	s3 =	sadd.s32 s3, s9;
	s6 =	sadd.s32 @!p0 $0x88, s6;
	s7 =	simm.s32 @p2 $0x1082  }
0x22: {  	[simem:s7], [sflag:s8] =	dma.local @!p0 [hbm:s6], $0xF7A  }
0x23: {  	s9 =	sor.u32 $0xD0000000, s2;
	s6 =	simm.s32 $0x108;
	_ =	swait.ge @!p0 [sflag:s8], $0x0  }
0x24: {  	s3 =	sadd.s32 $0x88, s3;
	s6 =	simm.s32 @!p1 $0x1082;
	[sflag:s4] =	ssyncset.s32 $0xFFFFF086  }
0x25: {  	[simem:s6], [sflag:s4] =	dma.local [hbm:s3], $0xF7A  }
0x26: {  	[smem:$0x3F9D] =	sst s1;
	(tag) =	ssettag s2;
	_ =	strace s9  }
0x27: {  	s1 =	sld [smem:$0x3FAD]  }
0x28: {  	s2 =	sld [smem:$0x3FAE]  }
0x29: {  	s4 =	sld [smem:$0x3FB0]  }
0x2a: {  	p0 =	seq.s32 s5, $0x0;
	s5 =	sld [smem:$0x3FB1]  }
0x2b: {  	s6 =	sld [smem:$0x3FB2]  }
0x2c: {  	s7 =	sld [smem:$0x3FB3]  }
0x2d: {  	s3 =	simm.s32 $0x108;
	s8 =	sld [smem:$0x3FB4]  }
0x2e: {  	s3 =	simm.s32 @!p0 $0x1082;
	s9 =	sld [smem:$0x3FB5]  }
0x2f: {  	lr =	sadd.s32 s0, s3;
	s0 =	sld [smem:$0x3FAC]  }
0x30: {  	s3 =	sld [smem:$0x3FAF]  }
0x31: {  	[smem:$0x3FB8] =	sst s10  }
0x32: {  	s10 =	sld [smem:$0x3FB6];
	_ =	sdelay $0x3  }
0x33: {  	p0 =	seq.s32 s10, $0x1;
	s10 =	sld [smem:$0x3FB8];
	_ =	sdelay $0x3  }
0x34: {  	[smem:$0x3FB8] =	sst s10  }
0x35: {  	s10 =	sld [smem:$0x3FB7];
	_ =	sdelay $0x3  }
0x36: {  	p1 =	seq.s32 s10, $0x1;
	s10 =	sld [smem:$0x3FB8];
	_ =	sdelay $0x3  }
0x37: {  	[smem:$0x3FB8] =	sst s10  }
0x38: {  	s10 =	sld [smem:$0x3FB9]  }
0x39: {  	_ = 	snop;
	(pc) =	sbr.ind lr, $3  }
0x3a: {  	_ = 	snop  }
0x3b: {  	_ = 	snop  }
0x3c: {  	p2 =	seq.s32 s10, $0x1;
	s10 =	sld [smem:$0x3FB8]  }
0x3d: {  	_ =	shalt  }
0x3e: {  	_ =	shalt  }
0x3f: {  	_ =	shalt  }
0x40: {  	_ =	shalt  }
0x41: {  	_ =	shalt  }
0x42: {  	_ =	shalt  }
0x43: {  	_ =	shalt  }
0x44: {  	_ =	shalt  }
0x45: {  	_ =	shalt  }
0x46: {  	_ =	shalt  }
0x47: {  	_ =	shalt  }
0x48: {  	_ =	shalt  }
0x49: {  	_ =	shalt  }
0x4a: {  	_ =	shalt  }
0x4b: {  	_ =	shalt  }
0x4c: {  	_ =	shalt  }
0x4d: {  	_ =	shalt  }
0x4e: {  	_ =	shalt  }
0x4f: {  	_ =	shalt  }
0x50: {  	_ =	shalt  }
0x51: {  	_ =	shalt  }
0x52: {  	_ =	shalt  }
0x53: {  	_ =	shalt  }
0x54: {  	_ =	shalt  }
0x55: {  	_ =	shalt  }
0x56: {  	_ =	shalt  }
0x57: {  	_ =	shalt  }
0x58: {  	_ =	shalt  }
0x59: {  	_ =	shalt  }
0x5a: {  	_ =	shalt  }
0x5b: {  	_ =	shalt  }
0x5c: {  	_ =	shalt  }
0x5d: {  	_ =	shalt  }
0x5e: {  	_ =	shalt  }
0x5f: {  	_ =	shalt  }
0x60: {  	_ =	shalt  }
0x61: {  	_ =	shalt  }
0x62: {  	_ =	shalt  }
0x63: {  	_ =	shalt  }
0x64: {  	_ =	shalt  }
0x65: {  	_ =	shalt  }
0x66: {  	_ =	shalt  }
0x67: {  	_ =	shalt  }
0x68: {  	_ =	shalt  }
0x69: {  	_ =	shalt  }
0x6a: {  	_ =	shalt  }
0x6b: {  	_ =	shalt  }
0x6c: {  	_ =	shalt  }
0x6d: {  	_ =	shalt  }
0x6e: {  	_ =	shalt  }
0x6f: {  	_ =	shalt  }
0x70: {  	_ =	shalt  }
0x71: {  	_ =	shalt  }
0x72: {  	_ =	shalt  }
0x73: {  	_ =	shalt  }
0x74: {  	_ =	shalt  }
0x75: {  	_ =	shalt  }
0x76: {  	_ =	shalt  }
0x77: {  	_ =	shalt  }
0x78: {  	_ =	shalt  }
0x79: {  	_ =	shalt  }
0x7a: {  	_ =	shalt  }
0x7b: {  	_ =	shalt  }
0x7c: {  	_ =	shalt  }
0x7d: {  	_ =	shalt  }
0x7e: {  	_ =	shalt  }
0x7f: {  	_ =	shalt  }
0x80: {  	_ =	shalt  }
0x81: {  	_ =	shalt  }
0x82: {  	_ =	shalt  }
0x83: {  	_ =	shalt  }
0x84: {  	_ =	shalt  }
0x85: {  	_ =	shalt  }
0x86: {  	_ =	shalt  }
0x87: {  	_ =	shalt  }
.Lfunc_end0:
.L_simem_size_0:
called_computation_lowered:
.L_overlay_start_0:
0x88: {  	s2 =	sld [smem:$0x3FD9]  }
0x89: {  	s3 =	sld [smem:$0x3FFE];
	_ =	sdelay $0x1  }
0x8a: {  	s1 =	srdreg.scid  }
0x8b: {  	s0 =	sand.u32 $0x1, s1  }
0x8c: {  	s17 =	sshll.u32 s0, $0xA;
	s2 =	sadd.s32 s3, s2  }
0x8d: {  	s2 =	sadd.s32 s2, s17  }
0x8e: {  	[smem:$0x3FC4] =	sst s2  }
0x8f: {  	_ = 	snop  }
0x90: {  	s2 =	sld [smem:$0x3FC8]  }
0x91: {  	s18 =	sld [smem:$0x3FC7]  }
0x92: {  	s4 =	sld [smem:$0x3FC6];
	(tm) =	ssettm $0x1  }
0x93: {  	s5 =	sld [smem:$0x3FFB];
	_ =	sdelay $0x3  }
0x94: {  	_ =	strace s5  }
0x95: {  	s5 =	sld [smem:$0x3FFC];
	_ =	sdelay $0x3  }
0x96: {  	_ =	strace s5  }
0x97: {  	s5 =	sld [smem:$0x3FFD];
	_ =	sdelay $0x3  }
0x98: {  	_ =	strace s5  }
0x99: {  	_ =	strace $0x8FFFFFFF  }
0x9a: {  	s19 =	sld [smem:$0x3FDB];
	_ =	sdelay $0x1  }
0x9b: {  	s6 =	simm.s32 $_scs_section_size  }
0x9c: {  	s7 =	simm.s32 $_size__tile_overlayer_lowered;
	s8 =	simm.s32 $_tile_overlayer_lowered  }
0x9d: {  	s22 =	simm.s32 $0x1BFF;
	s21 =	sshll.u32 s8, $0x1;
	s5 =	sadd.s32 s6, s19  }
0x9e: {  	s9 =	simm.s32 $0x0;
	s20 =	sshll.u32 s7, $0x1;
	s7 =	sadd.s32 s21, s5  }
0x9f: {  	[timem:s9], [sflag:s22] =	dma.local [hbm:s7], s20  }
0xa0: {  	_ =	swait.ge [sflag:s22], s20  }
0xa1: {  	s6 =	ssub.s32 $0x0, s20;
	[sflag:s22] =	ssyncset.done $0x0  }
0xa2: {  	[sflag:s22] =	ssyncadd.s32 s6;
	_ =	sdelay $0x1  }
0xa3: {  	s23 =	simm.s32 $0x1B8B  }
0xa4: {  	_ =	swait.ge [sflag:s23], $0x1  }
0xa5: {  	[sflag:s23] =	ssyncset.done $0x0  }
0xa6: {  	s25 =	simm.s32 $0x1B8E;
	s24 =	sld [smem:$0x3FFE];
	[sflag:s23] =	ssyncadd.s32 $0xFFFFFFFF  }
0xa7: {  	s26 =	simm.s32 $execute0_lowered;
	[smem:$0x3FD2] =	sst s25  }
0xa8: {  	s7 =	sshll.u32 s26, $0x1;
	_ =	strace $0x80000046;
	[dreg:$0x1] =	wrdreg $0xFFFFFFFF  }
0xa9: {  	s28 =	simm.s32 $_size_execute0_lowered;
	s5 =	sadd.s32 s5, s7;
	[dreg:$0x0] =	wrdreg $0x0  }
0xaa: {  	s7 =	sshll.u32 s28, $0x1;
	[dreg:$0x2] =	wrdreg s5  }
0xab: {  	[dreg:$0x3] =	wrdreg s7  }
0xac: {  	[dreg:$0x4] =	wrdreg $0xC0  }
0xad: {  	_ =	task [dreg:s9], $0x5FFFF  }
0xae: {  	[dreg:$0x1] =	wrdreg $0xFFFFFFFF  }
0xaf: {  	[dreg:$0x0] =	wrdreg $0x60  }
0xb0: {  	[dreg:$0x2] =	wrdreg s24  }
0xb1: {  	[dreg:$0x3] =	wrdreg s2  }
0xb2: {  	[dreg:$0x4] =	wrdreg s4  }
0xb3: {  	[dreg:$0x5] =	wrdreg s18  }
0xb4: {  	[dreg:$0x6] =	wrdreg $0x9  }
0xb5: {  	_ =	task.clear_ibuf [dreg:s9], $0x7FFFF;
	_ =	strace $0x90000046  }
0xb6: {  	s29 =	simm.s32 $0x9;
	_ =	strace $0x80000048  }
0xb7: {  	_ =	swait.ge [sflag:s29], $0x1  }
0xb8: {  	[sflag:s29] =	ssyncadd.s32 $0xFFFFFFFF  }
0xb9: {  	_ =	strace $0x90000048  }
0xba: {  	_ =	sfence  }
0xbb: {  	s30 =	sld [smem:$0x0];
	_ =	sdelay $0x2  }
0xbc: {  	s31 =	sshll.u32 s1, $0xD;
	s1 =	sshrl.u32 s1, $0x2  }
0xbd: {  	s3 =	sand.u32 $0x4000, s31;
	s1 =	sadd.s32 s1, s30  }
0xbe: {  	s0 =	sor.u32 s3, s0;
	s1 =	sshll.u32 s1, $0x11  }
0xbf: {  	s0 =	sor.u32 s1, s0  }
0xc0: {  	s0 =	sadd.s32 $0x8F2B, s0  }
0xc1: {  	[sflag:s0] =	ssyncadd.remote.s32 $0x1  }
0xc2: {  	_ =	sfence.sel $0xFFFF  }
0xc3: {  	[dreg:$0x0] =	wrdreg $0xFFFFFFFF;
	(pc) =	sbr.abs _section_cstart, $3  }
0xc4: {  	[dreg:$0x1] =	wrdreg $0xFFFFFFFF  }
0xc5: {  	_ =	task.clear_ibuf [dreg:s9], $0x2FFFF;
	_ =	strace $0x9FFFFFFF  }
0xc6: {  	(tm) =	ssettm $0x7FFFFFFF  }
0xc7: {  	_ =	shalt  }
tec
execute0_lowered:
.L_overlay_start_1:
0x0: {  	(tag) =	ssettag $0x1  }
0x1: {  	s5 =	rddreg [dreg:$0x0]  }
0x2: {  	s6 =	rddreg [dreg:$0x1]  }
0x3: {  	s1 =	srdreg.scid;
	s2 =	rddreg [dreg:$0x2]  }
0x4: {  	s0 =	stileid.u32;
	s3 =	rddreg [dreg:$0x3]  }
0x5: {  	s4 =	simm.s32 $0x0;
	s7 =	sand.u32 $0x1, s1;
	s31 =	sshll.u32 s0, $0x1  }
0x6: {  	s10 =	simm.s32 $0x1900;
	s11 =	simm.s32 $0x1980;
	s1 =	sor.u32 s7, s31  }
0x7: {  	s12 =	simm.s32 $0x1;
	s13 =	simm.s32 $0x1A00;
	s8 =	smul.u32 $0xC40, s1  }
0x8: {  	s14 =	simm.s32 $0x2;
	s15 =	simm.s32 $0x0;
	[smem:$0x7FF] =	sst s4  }
0x9: {  	s7 =	ssub.s32 $0x2, s7;
	s1 =	rddreg [dreg:$0x4];
	s8 =	smin.u32 s8, $0x17A60  }
0xa: {  	_ =	strace $0x80000047;
	s9 =	sshrl.u32 s7, $0x1;
	s8 =	sshrl.u32 s8, $0x3  }
0xb: {  	s9 =	ssub.s32 s7, s9;
	s5 =	sadd.s32 s5, s8;
	s6 =	sadd.s32 s6, s8  }
0xc: {  	s8 =	smax.u32 s9, $0x1;
	s9 =	simm.s32 $0xC80;
	s7 =	sadd.s32 $0x3200, s5  }
.LBB2_1:
0xd: {  	[tilespmem:s4], [sflag:$0x1] =	stream.linear.gather [hbm4b:s5+s4], $0xC40, $0x38;
	[tilespmem:$0x2680] =	vst v63  }
0xe: {  	_ = 	snop  }
0xf: {  	[tilespmem:s9], [sflag:$0x1] =	stream.linear.gather [hbm4b:s6+s4], $0xC40, $0x38;
	[tilespmem:$0x2680] =	vst v63  }
0x10: {  	_ = 	snop  }
0x11: {  	[tilespmem:s10], [sflag:$0x1] =	stream.linear.gather [hbm4b:s2+s4], $0xA, $0x38;
	[tilespmem:$0x2680] =	vst v63  }
0x12: {  	_ = 	snop  }
0x13: {  	[tilespmem:s11], [sflag:$0x1] =	stream.linear.gather [hbm4b:s3+s4], $0xA, $0x38;
	[tilespmem:$0x2680] =	vst v63  }
0x14: {  	_ =	swait.ge [sflag:s12], $0xC40  }
0x15: {  	[sflag:s12] =	ssyncset.done $0x0  }
0x16: {  	[sflag:s12] =	ssyncadd.s32 $0xFFFFF3C0  }
0x17: {  	_ =	swait.ge [sflag:s12], $0xC40  }
0x18: {  	[sflag:s12] =	ssyncset.done $0x0  }
0x19: {  	[sflag:s12] =	ssyncadd.s32 $0xFFFFF3C0  }
0x1a: {  	_ =	swait.ge [sflag:s12], $0xA  }
0x1b: {  	[sflag:s12] =	ssyncset.done $0x0  }
0x1c: {  	[sflag:s12] =	ssyncadd.s32 $0xFFFFFFF6  }
0x1d: {  	_ =	swait.ge [sflag:s12], $0xA  }
0x1e: {  	[sflag:s12] =	ssyncset.done $0x0  }
0x1f: {  	s16 =	simm.s32 $0xCF0;
	[sflag:s12] =	ssyncadd.s32 $0xFFFFFFF6  }
0x20: {  	v2 =	vld [tilespmem:s16+$0xFFFFFF90]  }
0x21: {  	v0 =	vld [tilespmem:$0x1900]  }
0x22: {  	s17 =	simm.s32 $0x70;
	v1 =	vld [tilespmem:$0x1980]  }
0x23: {  	v3 =	vld [tilespmem:s17+$0xFFFFFF90];
	_ =	sdelay $0x1  }
0x24: {  	v2 =	vand.u32 $0xF, v2  }
0x25: {  	v4 =	vperm.xlane v0, v2;
	_ =	sdelay $0x1  }
0x26: {  	v2 =	vperm.xlane v1, v2;
	v3 =	vmul.f32 v3, v4;
	_ =	sdelay $0x1  }
0x27: {  	v2 =	vadd.f32 v3, v2  }
0x28: {  	s18 =	simm.s32 $0x1A70  }
0x29: {  	[tilespmem:s18+$0xFFFFFF90] =	vst v2  }
0x2a: {  	v2 =	vld [tilespmem:s16+$0xFFFFFFA0];
	_ =	sdelay $0x2  }
0x2b: {  	v3 =	vld [tilespmem:s17+$0xFFFFFFA0];
	_ =	sdelay $0x1  }
0x2c: {  	v2 =	vand.u32 $0xF, v2  }
0x2d: {  	v51 =	vperm.xlane v0, v2;
	_ =	sdelay $0x1  }
0x2e: {  	v2 =	vperm.xlane v1, v2;
	v3 =	vmul.f32 v3, v51;
	_ =	sdelay $0x1  }
0x2f: {  	v2 =	vadd.f32 v3, v2;
	_ =	sdelay $0x1  }
0x30: {  	[tilespmem:s18+$0xFFFFFFA0] =	vst v2  }
0x31: {  	v2 =	vld [tilespmem:s16+$0xFFFFFFB0];
	_ =	sdelay $0x2  }
0x32: {  	v3 =	vld [tilespmem:s17+$0xFFFFFFB0];
	_ =	sdelay $0x1  }
0x33: {  	v2 =	vand.u32 $0xF, v2  }
0x34: {  	v52 =	vperm.xlane v0, v2;
	_ =	sdelay $0x1  }
0x35: {  	v2 =	vperm.xlane v1, v2;
	v3 =	vmul.f32 v3, v52;
	_ =	sdelay $0x1  }
0x36: {  	v2 =	vadd.f32 v3, v2;
	_ =	sdelay $0x1  }
0x37: {  	[tilespmem:s18+$0xFFFFFFB0] =	vst v2  }
0x38: {  	v2 =	vld [tilespmem:s16+$0xFFFFFFC0];
	_ =	sdelay $0x2  }
0x39: {  	v3 =	vld [tilespmem:s17+$0xFFFFFFC0];
	_ =	sdelay $0x1  }
0x3a: {  	v2 =	vand.u32 $0xF, v2  }
0x3b: {  	v53 =	vperm.xlane v0, v2;
	_ =	sdelay $0x1  }
0x3c: {  	v2 =	vperm.xlane v1, v2;
	v3 =	vmul.f32 v3, v53;
	_ =	sdelay $0x1  }
0x3d: {  	v2 =	vadd.f32 v3, v2;
	_ =	sdelay $0x1  }
0x3e: {  	[tilespmem:s18+$0xFFFFFFC0] =	vst v2  }
0x3f: {  	v2 =	vld [tilespmem:s16+$0xFFFFFFD0];
	_ =	sdelay $0x2  }
0x40: {  	v3 =	vld [tilespmem:s17+$0xFFFFFFD0];
	_ =	sdelay $0x1  }
0x41: {  	v2 =	vand.u32 $0xF, v2  }
0x42: {  	v54 =	vperm.xlane v0, v2;
	_ =	sdelay $0x1  }
0x43: {  	v2 =	vperm.xlane v1, v2;
	v3 =	vmul.f32 v3, v54;
	_ =	sdelay $0x1  }
0x44: {  	v2 =	vadd.f32 v3, v2;
	_ =	sdelay $0x1  }
0x45: {  	[tilespmem:s18+$0xFFFFFFD0] =	vst v2  }
0x46: {  	v2 =	vld [tilespmem:s16+$0xFFFFFFE0];
	_ =	sdelay $0x2  }
0x47: {  	v3 =	vld [tilespmem:s17+$0xFFFFFFE0];
	_ =	sdelay $0x1  }
0x48: {  	v2 =	vand.u32 $0xF, v2  }
0x49: {  	v55 =	vperm.xlane v0, v2;
	_ =	sdelay $0x1  }
0x4a: {  	v2 =	vperm.xlane v1, v2;
	v3 =	vmul.f32 v3, v55;
	_ =	sdelay $0x1  }
0x4b: {  	v2 =	vadd.f32 v3, v2;
	_ =	sdelay $0x1  }
0x4c: {  	[tilespmem:s18+$0xFFFFFFE0] =	vst v2  }
0x4d: {  	v2 =	vld [tilespmem:s16+$0xFFFFFFF0];
	_ =	sdelay $0x2  }
0x4e: {  	v3 =	vld [tilespmem:s17+$0xFFFFFFF0];
	_ =	sdelay $0x1  }
0x4f: {  	v2 =	vand.u32 $0xF, v2  }
0x50: {  	v56 =	vperm.xlane v0, v2;
	_ =	sdelay $0x1  }
0x51: {  	v2 =	vperm.xlane v1, v2;
	v3 =	vmul.f32 v3, v56;
	_ =	sdelay $0x1  }
0x52: {  	v2 =	vadd.f32 v3, v2;
	_ =	sdelay $0x1  }
0x53: {  	[tilespmem:s18+$0xFFFFFFF0] =	vst v2  }
0x54: {  	v2 =	vld [tilespmem:s16+$0x0];
	_ =	sdelay $0x2  }
0x55: {  	v3 =	vld [tilespmem:s17+$0x0];
	_ =	sdelay $0x1  }
0x56: {  	v2 =	vand.u32 $0xF, v2  }
0x57: {  	v57 =	vperm.xlane v0, v2;
	_ =	sdelay $0x1  }
0x58: {  	v2 =	vperm.xlane v1, v2;
	v3 =	vmul.f32 v3, v57;
	_ =	sdelay $0x1  }
0x59: {  	v2 =	vadd.f32 v3, v2;
	_ =	sdelay $0x1  }
0x5a: {  	s19 =	sand.u32 $0xFE0, s4;
	[tilespmem:s18+$0x0] =	vst v2  }
0x5b: {  	v2 =	vld [tilespmem:s19+$0xD00];
	_ =	sdelay $0x2  }
0x5c: {  	v3 =	vld [tilespmem:s19+$0x80];
	_ =	sdelay $0x1  }
0x5d: {  	v2 =	vand.u32 $0xF, v2  }
0x5e: {  	v58 =	vperm.xlane v0, v2;
	_ =	sdelay $0x1  }
0x5f: {  	v2 =	vperm.xlane v1, v2;
	v3 =	vmul.f32 v3, v58;
	_ =	sdelay $0x1  }
0x60: {  	v2 =	vadd.f32 v3, v2;
	_ =	sdelay $0x1  }
0x61: {  	[tilespmem:s19+$0x1A80] =	vst v2  }
0x62: {  	v2 =	vld [tilespmem:s16+$0x20];
	_ =	sdelay $0x2  }
0x63: {  	v3 =	vld [tilespmem:s17+$0x20];
	_ =	sdelay $0x1  }
0x64: {  	v2 =	vand.u32 $0xF, v2  }
0x65: {  	v59 =	vperm.xlane v0, v2;
	_ =	sdelay $0x1  }
0x66: {  	v2 =	vperm.xlane v1, v2;
	v3 =	vmul.f32 v3, v59;
	_ =	sdelay $0x1  }
0x67: {  	v2 =	vadd.f32 v3, v2;
	_ =	sdelay $0x1  }
0x68: {  	[tilespmem:s18+$0x20] =	vst v2  }
0x69: {  	v2 =	vld [tilespmem:s16+$0x30];
	_ =	sdelay $0x2  }
0x6a: {  	v3 =	vld [tilespmem:s17+$0x30];
	_ =	sdelay $0x1  }
0x6b: {  	v2 =	vand.u32 $0xF, v2  }
0x6c: {  	v60 =	vperm.xlane v0, v2;
	_ =	sdelay $0x1  }
0x6d: {  	v2 =	vperm.xlane v1, v2;
	v3 =	vmul.f32 v3, v60;
	_ =	sdelay $0x1  }
0x6e: {  	v2 =	vadd.f32 v3, v2;
	_ =	sdelay $0x1  }
0x6f: {  	[tilespmem:s18+$0x30] =	vst v2  }
0x70: {  	v2 =	vld [tilespmem:s16+$0x40];
	_ =	sdelay $0x2  }
0x71: {  	v3 =	vld [tilespmem:s17+$0x40];
	_ =	sdelay $0x1  }
0x72: {  	v2 =	vand.u32 $0xF, v2  }
0x73: {  	v61 =	vperm.xlane v0, v2;
	_ =	sdelay $0x1  }
0x74: {  	v2 =	vperm.xlane v1, v2;
	v3 =	vmul.f32 v3, v61;
	_ =	sdelay $0x1  }
0x75: {  	v2 =	vadd.f32 v3, v2;
	_ =	sdelay $0x1  }
0x76: {  	[tilespmem:s18+$0x40] =	vst v2  }
0x77: {  	v2 =	vld [tilespmem:s16+$0x50];
	_ =	sdelay $0x2  }
0x78: {  	v3 =	vld [tilespmem:s17+$0x50];
	_ =	sdelay $0x1  }
0x79: {  	v2 =	vand.u32 $0xF, v2  }
0x7a: {  	v62 =	vperm.xlane v0, v2;
	_ =	sdelay $0x1  }
0x7b: {  	v2 =	vperm.xlane v1, v2;
	v3 =	vmul.f32 v3, v62;
	_ =	sdelay $0x1  }
0x7c: {  	v2 =	vadd.f32 v3, v2;
	_ =	sdelay $0x1  }
0x7d: {  	[tilespmem:s18+$0x50] =	vst v2  }
0x7e: {  	v2 =	vld [tilespmem:s16+$0x60];
	_ =	sdelay $0x2  }
0x7f: {  	v3 =	vld [tilespmem:s17+$0x60];
	_ =	sdelay $0x1  }
0x80: {  	v2 =	vand.u32 $0xF, v2  }
0x81: {  	v63 =	vperm.xlane v0, v2;
	_ =	sdelay $0x1  }
0x82: {  	v2 =	vperm.xlane v1, v2;
	v3 =	vmul.f32 v3, v63;
	_ =	sdelay $0x1  }
0x83: {  	s19 =	simm.s32 $0xE0;
	v2 =	vadd.f32 v3, v2  }
.LBB2_2:
0x84: {  	_ = 	snop  }
0x85: {  	s16 =	sadd.s32 $0xE0, s16;
	s17 =	sadd.s32 $0xE0, s17;
	[tilespmem:s18+$0x60] =	vst v2;
	s18 =	sadd.s32 $0xE0, s18  }
0x86: {  	p0 =	sne.s32 s19, $0xB60;
	s20 =	smov.u32 s19;
	s19 =	sadd.s32 $0xE0, s19;
	v2 =	vld [tilespmem:s16+$0xFFFFFF90]  }
0x87: {  	_ =	sdelay $0x1  }
0x88: {  	v3 =	vld [tilespmem:s17+$0xFFFFFF90];
	_ =	sdelay $0x1  }
0x89: {  	v2 =	vand.u32 $0xF, v2  }
0x8a: {  	v4 =	vperm.xlane v0, v2;
	_ =	sdelay $0x1  }
0x8b: {  	v2 =	vperm.xlane v1, v2;
	v3 =	vmul.f32 v3, v4;
	_ =	sdelay $0x1  }
0x8c: {  	v2 =	vadd.f32 v3, v2;
	_ =	sdelay $0x1  }
0x8d: {  	[tilespmem:s18+$0xFFFFFF90] =	vst v2  }
0x8e: {  	v2 =	vld [tilespmem:s16+$0xFFFFFFA0];
	_ =	sdelay $0x2  }
0x8f: {  	v3 =	vld [tilespmem:s17+$0xFFFFFFA0];
	_ =	sdelay $0x1  }
0x90: {  	v2 =	vand.u32 $0xF, v2  }
0x91: {  	v4 =	vperm.xlane v0, v2;
	_ =	sdelay $0x1  }
0x92: {  	v2 =	vperm.xlane v1, v2;
	v3 =	vmul.f32 v3, v4;
	_ =	sdelay $0x1  }
0x93: {  	v2 =	vadd.f32 v3, v2;
	_ =	sdelay $0x1  }
0x94: {  	[tilespmem:s18+$0xFFFFFFA0] =	vst v2  }
0x95: {  	v2 =	vld [tilespmem:s16+$0xFFFFFFB0];
	_ =	sdelay $0x2  }
0x96: {  	v3 =	vld [tilespmem:s17+$0xFFFFFFB0];
	_ =	sdelay $0x1  }
0x97: {  	v2 =	vand.u32 $0xF, v2  }
0x98: {  	v4 =	vperm.xlane v0, v2;
	_ =	sdelay $0x1  }
0x99: {  	v2 =	vperm.xlane v1, v2;
	v3 =	vmul.f32 v3, v4;
	_ =	sdelay $0x1  }
0x9a: {  	v2 =	vadd.f32 v3, v2;
	_ =	sdelay $0x1  }
0x9b: {  	[tilespmem:s18+$0xFFFFFFB0] =	vst v2  }
0x9c: {  	v2 =	vld [tilespmem:s16+$0xFFFFFFC0];
	_ =	sdelay $0x2  }
0x9d: {  	v3 =	vld [tilespmem:s17+$0xFFFFFFC0];
	_ =	sdelay $0x1  }
0x9e: {  	v2 =	vand.u32 $0xF, v2  }
0x9f: {  	v4 =	vperm.xlane v0, v2;
	_ =	sdelay $0x1  }
0xa0: {  	v2 =	vperm.xlane v1, v2;
	v3 =	vmul.f32 v3, v4;
	_ =	sdelay $0x1  }
0xa1: {  	v2 =	vadd.f32 v3, v2;
	_ =	sdelay $0x1  }
0xa2: {  	[tilespmem:s18+$0xFFFFFFC0] =	vst v2  }
0xa3: {  	v2 =	vld [tilespmem:s16+$0xFFFFFFD0];
	_ =	sdelay $0x2  }
0xa4: {  	v3 =	vld [tilespmem:s17+$0xFFFFFFD0];
	_ =	sdelay $0x1  }
0xa5: {  	v2 =	vand.u32 $0xF, v2  }
0xa6: {  	v4 =	vperm.xlane v0, v2;
	_ =	sdelay $0x1  }
0xa7: {  	v2 =	vperm.xlane v1, v2;
	v3 =	vmul.f32 v3, v4;
	_ =	sdelay $0x1  }
0xa8: {  	v2 =	vadd.f32 v3, v2;
	_ =	sdelay $0x1  }
0xa9: {  	[tilespmem:s18+$0xFFFFFFD0] =	vst v2  }
0xaa: {  	v2 =	vld [tilespmem:s16+$0xFFFFFFE0];
	_ =	sdelay $0x2  }
0xab: {  	v3 =	vld [tilespmem:s17+$0xFFFFFFE0];
	_ =	sdelay $0x1  }
0xac: {  	v2 =	vand.u32 $0xF, v2  }
0xad: {  	v4 =	vperm.xlane v0, v2;
	_ =	sdelay $0x1  }
0xae: {  	v2 =	vperm.xlane v1, v2;
	v3 =	vmul.f32 v3, v4;
	_ =	sdelay $0x1  }
0xaf: {  	v2 =	vadd.f32 v3, v2;
	_ =	sdelay $0x1  }
0xb0: {  	[tilespmem:s18+$0xFFFFFFE0] =	vst v2  }
0xb1: {  	v2 =	vld [tilespmem:s16+$0xFFFFFFF0];
	_ =	sdelay $0x2  }
0xb2: {  	v3 =	vld [tilespmem:s17+$0xFFFFFFF0];
	_ =	sdelay $0x1  }
0xb3: {  	v2 =	vand.u32 $0xF, v2  }
0xb4: {  	v4 =	vperm.xlane v0, v2;
	_ =	sdelay $0x1  }
0xb5: {  	v2 =	vperm.xlane v1, v2;
	v3 =	vmul.f32 v3, v4;
	_ =	sdelay $0x1  }
0xb6: {  	v2 =	vadd.f32 v3, v2;
	_ =	sdelay $0x1  }
0xb7: {  	[tilespmem:s18+$0xFFFFFFF0] =	vst v2  }
0xb8: {  	v2 =	vld [tilespmem:s16+$0x0];
	_ =	sdelay $0x2  }
0xb9: {  	v3 =	vld [tilespmem:s17+$0x0];
	_ =	sdelay $0x1  }
0xba: {  	v2 =	vand.u32 $0xF, v2  }
0xbb: {  	v4 =	vperm.xlane v0, v2;
	_ =	sdelay $0x1  }
0xbc: {  	v2 =	vperm.xlane v1, v2;
	v3 =	vmul.f32 v3, v4;
	_ =	sdelay $0x1  }
0xbd: {  	v2 =	vadd.f32 v3, v2;
	_ =	sdelay $0x1  }
0xbe: {  	s20 =	sand.u32 $0xFE0, s20;
	[tilespmem:s18+$0x0] =	vst v2  }
0xbf: {  	v2 =	vld [tilespmem:s20+$0xD00]  }
0xc0: {  	v3 =	vld [tilespmem:s20+$0x80];
	_ =	sdelay $0x3  }
0xc1: {  	v2 =	vand.u32 $0xF, v2  }
0xc2: {  	v4 =	vperm.xlane v0, v2;
	_ =	sdelay $0x1  }
0xc3: {  	v2 =	vperm.xlane v1, v2;
	v3 =	vmul.f32 v3, v4;
	_ =	sdelay $0x1  }
0xc4: {  	v2 =	vadd.f32 v3, v2;
	_ =	sdelay $0x1  }
0xc5: {  	[tilespmem:s20+$0x1A80] =	vst v2  }
0xc6: {  	v2 =	vld [tilespmem:s16+$0x20]  }
0xc7: {  	v3 =	vld [tilespmem:s17+$0x20];
	_ =	sdelay $0x3  }
0xc8: {  	v2 =	vand.u32 $0xF, v2  }
0xc9: {  	v4 =	vperm.xlane v0, v2;
	_ =	sdelay $0x1  }
0xca: {  	v2 =	vperm.xlane v1, v2;
	v3 =	vmul.f32 v3, v4;
	_ =	sdelay $0x1  }
0xcb: {  	v2 =	vadd.f32 v3, v2;
	_ =	sdelay $0x1  }
0xcc: {  	[tilespmem:s18+$0x20] =	vst v2  }
0xcd: {  	v2 =	vld [tilespmem:s16+$0x30]  }
0xce: {  	v3 =	vld [tilespmem:s17+$0x30];
	_ =	sdelay $0x3  }
0xcf: {  	v2 =	vand.u32 $0xF, v2  }
0xd0: {  	v4 =	vperm.xlane v0, v2;
	_ =	sdelay $0x1  }
0xd1: {  	v2 =	vperm.xlane v1, v2;
	v3 =	vmul.f32 v3, v4;
	_ =	sdelay $0x1  }
0xd2: {  	v2 =	vadd.f32 v3, v2;
	_ =	sdelay $0x1  }
0xd3: {  	[tilespmem:s18+$0x30] =	vst v2  }
0xd4: {  	v2 =	vld [tilespmem:s16+$0x40]  }
0xd5: {  	v3 =	vld [tilespmem:s17+$0x40];
	_ =	sdelay $0x3  }
0xd6: {  	v2 =	vand.u32 $0xF, v2  }
0xd7: {  	v4 =	vperm.xlane v0, v2;
	_ =	sdelay $0x1  }
0xd8: {  	v2 =	vperm.xlane v1, v2;
	v3 =	vmul.f32 v3, v4;
	_ =	sdelay $0x1  }
0xd9: {  	v2 =	vadd.f32 v3, v2;
	_ =	sdelay $0x1  }
0xda: {  	[tilespmem:s18+$0x40] =	vst v2  }
0xdb: {  	v2 =	vld [tilespmem:s16+$0x50]  }
0xdc: {  	v3 =	vld [tilespmem:s17+$0x50];
	_ =	sdelay $0x3  }
0xdd: {  	v2 =	vand.u32 $0xF, v2  }
0xde: {  	v4 =	vperm.xlane v0, v2;
	_ =	sdelay $0x1  }
0xdf: {  	v2 =	vperm.xlane v1, v2;
	v3 =	vmul.f32 v3, v4;
	_ =	sdelay $0x1  }
0xe0: {  	v2 =	vadd.f32 v3, v2;
	_ =	sdelay $0x1  }
0xe1: {  	[tilespmem:s18+$0x50] =	vst v2  }
0xe2: {  	v2 =	vld [tilespmem:s16+$0x60]  }
0xe3: {  	v3 =	vld [tilespmem:s17+$0x60];
	_ =	sdelay $0x3  }
0xe4: {  	v2 =	vand.u32 $0xF, v2  }
.Ltmp0:
0xe5: {  	v4 =	vperm.xlane v0, v2;
	(pc) =	sbr.rel @p0 .LBB2_2-.Ltmp0, $3  }
0xe6: {  	_ = 	snop  }
0xe7: {  	v2 =	vperm.xlane v1, v2;
	v3 =	vmul.f32 v3, v4;
	_ =	sdelay $0x1  }
0xe8: {  	v2 =	vadd.f32 v3, v2  }
0xe9: {  	s15 =	sadd.s32 $0x1, s15  }
0xea: {  	p0 =	sne.s32 s15, s8  }
.Ltmp1:
0xeb: {  	[tilespmem:s18+$0x60] =	vst v2;
	(pc) =	sbr.rel @p0 .LBB2_1-.Ltmp1, $4  }
0xec: {  	[hbm4b:s7+s4] =	stream.linear.scatter [tilespmem:s13], [sflag:$0x2], $0xC40, $0x38;
	[tilespmem:$0x2680] =	vst v63  }
0xed: {  	_ =	swait.ge [sflag:s14], $0xC40  }
0xee: {  	[sflag:s14] =	ssyncset.done $0x0  }
0xef: {  	[sflag:s14] =	ssyncadd.s32 $0xFFFFF3C0  }
0xf0: {  	_ =	sfence.sel $0x180000  }
0xf1: {  	[bflag:$0x0] =	sbarrier.arrive $0xFFFF  }
0xf2: {  	p0 =	sne.s32 s0, $0x0;
	_ =	strace $0x90000047  }
0xf3: {  	s0 =	sadd.s32 @!p0 $0x100000, s1;
	[bflag:$0x2] =	sbarrier.arrive $0xFFFF  }
0xf4: {  	[sflag:s0] =	ssyncadd.tile.s32 @!p0 $0x1;
	_ =	shalt  }
.Lfunc_end2:
_tile_overlayer_lowered:
.L_overlay_start_2:
0xf5: {  	(tag) =	ssettag $0x2  }
0xf6: {  	s0 =	rddreg [dreg:$0x0];
	s2 =	stileid.u32  }
0xf7: {  	s1 =	rddreg [dreg:$0x1];
	p0 =	sne.s32 s2, $0x0  }
0xf8: {  	s3 =	rddreg [dreg:$0x2];
	[bflag:$0x3] =	sbarrier.arrive $0xFFFF;
	s2 =	simm.s32 @!p0 $0x1C02  }
0xf9: {  	[timem:s3], [sflag:s2] =	dma.local @!p0 [hbm:s0], s1  }
0xfa: {  	s0 =	simm.s32 @!p0 $0x2  }
0xfb: {  	_ =	swait.ge @!p0 [sflag:s0], s1  }
0xfc: {  	s1 =	ssub.s32 @!p0 $0x0, s1;
	[sflag:s0] =	ssyncset.done @!p0 $0x0  }
0xfd: {  	[sflag:s0] =	ssyncadd.s32 @!p0 s1  }
0xfe: {  	[bflag:$0x3] =	sbarrier.arrive $0xFFFF  }
0xff: {  	_ =	shalt  }

</sc_bundles>
